<compile_context>
chip_gen: v7x
topology: tpu7x:2x2x1
jax: 0.10.2.dev20260603
libtpu: 0.0.44.dev20260713+nightly
codegen_flags: <defaults>
</compile_context>

<pallas_src>
import functools

import jax
import jax.numpy as jnp
from jax import lax
from jax.experimental import pallas as pl
from jax.experimental.pallas import tpu as pltpu
from jax.experimental.pallas import tpu_sc as plsc

B = 16384
ND = 26
VOCAB = 100000
DE = 16
NWIDE = 26
WAD = 128
HALF = WAD // 2
E = 8
K = 2
CAP = 4096

NWORK = 32
NCHUNK = 4
PF = 32
TOTAL_ROWS = B * PF
RPC = TOTAL_ROWS // (NWORK * NCHUNK)

FD = ND * DE
NG = 4
CB = 12544
NCB = 8
VP = NCB * CB


def _repack_body(t_ref, p_ref):
    p_ref[...] = t_ref[...].T


def _repack(tabT):
    return pl.pallas_call(
        _repack_body,
        grid=(NG, NCB),
        in_specs=[pl.BlockSpec((128, CB), lambda g, c: (g, c))],
        out_specs=pl.BlockSpec((CB, 128), lambda g, c: (g * NCB + c, 0)),
        out_shape=jax.ShapeDtypeStruct((NG * VP, 128), jnp.float32),
    )(tabT)

TPC = RPC // 8


@functools.cache
def _make_sc_gather():
    mesh = plsc.VectorSubcoreMesh(
        core_axis_name="c", subcore_axis_name="s", num_cores=2, num_subcores=16
    )

    @functools.partial(
        pl.kernel,
        out_type=jax.ShapeDtypeStruct((NWORK * NCHUNK, RPC, DE), jnp.float32),
        mesh=mesh,
        scratch_types=[
            pltpu.VMEM((8, TPC), jnp.int32),
            pltpu.VMEM((RPC,), jnp.int32),
            pltpu.VMEM((RPC, DE), jnp.float32),
            pltpu.SemaphoreType.DMA,
        ],
        compiler_params=pltpu.CompilerParams(use_tc_tiling_on_sc=False, needs_layout_passes=False),
    )
    def sc_gather(tab_hbm, deep_hbm, out_hbm, dv, idx_v, rows_v, sem):
        w = lax.axis_index("s") * 2 + lax.axis_index("c")
        lane = lax.broadcasted_iota(jnp.int32, (16,), 0)
        vfo = lane % 8
        vht = lane // 8
        for c in range(NCHUNK):
            k = w * NCHUNK + c
            g = k // 32
            b0 = (k % 32) * TPC
            pltpu.sync_copy(deep_hbm.at[pl.ds(g * 8, 8), pl.ds(b0, TPC)], dv)

            def body(i, vtok):
                vals = plsc.load_gather(dv, [vfo, vtok])
                idx_v[pl.ds(i * 16, 16)] = vals * 8 + vfo
                return vtok + 2

            lax.fori_loop(0, RPC // 16, body, vht)
            pltpu.async_copy(tab_hbm.at[idx_v], rows_v, sem).wait()
            pltpu.sync_copy(rows_v, out_hbm.at[k])

    return sc_gather


def _sc_gather(tab_flat, deep_pad):
    return _make_sc_gather()(tab_flat, deep_pad)


TB = 512
NB = B // TB


def _lrelu(v):
    return jnp.where(v >= 0, v, 0.2 * v)


def _ctx_router_body(deep_ref, wide_ref, Wd_ref, bd_ref, Ww_ref, bw_ref, Wr_ref,
                     x_ref, tv_ref, ti_ref, h0_ref, h1_ref, ps_ref):
    dc = jnp.concatenate([deep_ref[g] for g in range(NG)], axis=1)
    d = jnp.dot(dc, Wd_ref[...], preferred_element_type=jnp.float32)
    d = _lrelu(d + bd_ref[...])
    w = jnp.dot(wide_ref[...], Ww_ref[...], preferred_element_type=jnp.float32)
    w = _lrelu(w + bw_ref[...])
    x = jnp.concatenate([d, w], axis=1)
    x_ref[...] = x
    lg = jnp.dot(x, Wr_ref[...], preferred_element_type=jnp.float32)
    m = jnp.max(lg, axis=1, keepdims=True)
    ex = jnp.exp(lg - m)
    p = ex / jnp.sum(ex, axis=1, keepdims=True)
    ii = lax.broadcasted_iota(jnp.int32, p.shape, 1)
    v1 = jnp.max(p, axis=1, keepdims=True)
    i1 = jnp.min(jnp.where(p == v1, ii, E), axis=1, keepdims=True)
    p2 = jnp.where(ii == i1, -1.0, p)
    v2 = jnp.max(p2, axis=1, keepdims=True)
    i2 = jnp.min(jnp.where(p2 == v2, ii, E), axis=1, keepdims=True)
    tv_ref[...] = jnp.concatenate([v1, v2], axis=1)
    ti_ref[...] = jnp.concatenate([i1, i2], axis=1)
    oh0 = (ii == i1).astype(jnp.float32)
    oh1 = (ii == i2).astype(jnp.float32)
    h0_ref[...] = jnp.sum(oh0, axis=0).reshape(1, 1, E)
    h1_ref[...] = jnp.sum(oh1, axis=0).reshape(1, 1, E)
    ps_ref[...] = jnp.sum(p, axis=0).reshape(1, 1, E)


def _ctx_router(deep_cat, wide_T, Wd, bd, Ww, bw, Wr):
    return pl.pallas_call(
        _ctx_router_body,
        grid=(NB,),
        in_specs=[
            pl.BlockSpec((NG, TB, 8 * DE), lambda i: (0, i, 0)),
            pl.BlockSpec((TB, NWIDE), lambda i: (i, 0)),
            pl.BlockSpec((PF * DE, HALF), lambda i: (0, 0)),
            pl.BlockSpec((1, HALF), lambda i: (0, 0)),
            pl.BlockSpec((NWIDE, HALF), lambda i: (0, 0)),
            pl.BlockSpec((1, HALF), lambda i: (0, 0)),
            pl.BlockSpec((WAD, E), lambda i: (0, 0)),
        ],
        out_specs=[
            pl.BlockSpec((TB, WAD), lambda i: (i, 0)),
            pl.BlockSpec((TB, K), lambda i: (i, 0)),
            pl.BlockSpec((TB, K), lambda i: (i, 0)),
            pl.BlockSpec((1, 1, E), lambda i: (i, 0, 0)),
            pl.BlockSpec((1, 1, E), lambda i: (i, 0, 0)),
            pl.BlockSpec((1, 1, E), lambda i: (i, 0, 0)),
        ],
        out_shape=[
            jax.ShapeDtypeStruct((B, WAD), jnp.float32),
            jax.ShapeDtypeStruct((B, K), jnp.float32),
            jax.ShapeDtypeStruct((B, K), jnp.int32),
            jax.ShapeDtypeStruct((NB, 1, E), jnp.float32),
            jax.ShapeDtypeStruct((NB, 1, E), jnp.float32),
            jax.ShapeDtypeStruct((NB, 1, E), jnp.float32),
        ],
    )(deep_cat, wide_T, Wd, bd, Ww, bw, Wr)




def _moe_head_body(x_ref, tv_ref, ti_ref, h0_ref, h1_ref, ps_ref,
                   W1_ref, b1_ref, W2_ref, b2_ref, W0_ref, b0_ref,
                   W1d_ref, b1d_ref, WoT_ref, bo_ref, out_ref, aux_ref):
    i = pl.program_id(0)
    x = x_ref[...]
    tv = tv_ref[...]
    ti = ti_ref[...]
    ii = lax.broadcasted_iota(jnp.int32, (TB, E), 1)
    oh0 = (ii == ti[:, 0:1]).astype(jnp.float32)
    oh1 = (ii == ti[:, 1:2]).astype(jnp.float32)
    h0 = h0_ref[...]
    h1 = h1_ref[...]
    bmask = (lax.broadcasted_iota(jnp.int32, (NB, 1, E), 0) < i).astype(jnp.float32)
    prefix0 = jnp.sum(h0 * bmask, axis=(0, 1))
    prefix1 = jnp.sum(h1 * bmask, axis=(0, 1))
    total0 = jnp.sum(h0, axis=(0, 1))
    total1 = jnp.sum(h1, axis=(0, 1))
    r = lax.broadcasted_iota(jnp.int32, (TB, TB), 0)
    cc = lax.broadcasted_iota(jnp.int32, (TB, TB), 1)
    L = (cc < r).astype(jnp.float32)
    prior = jnp.dot(L, jnp.concatenate([oh0, oh1], axis=1),
                    preferred_element_type=jnp.float32)
    prior0 = prior[:, :E]
    prior1 = prior[:, E:]
    keep0 = oh0 * (prefix0[None, :] + prior0 < CAP).astype(jnp.float32)
    keep1 = oh1 * (total0[None, :] + prefix1[None, :] + prior1 < CAP).astype(jnp.float32)
    combine = tv[:, 0:1] * keep0 + tv[:, 1:2] * keep1
    h = jnp.dot(x, W1_ref[...], preferred_element_type=jnp.float32)
    h = jnp.maximum(h + b1_ref[...], 0.0)
    hs = h * jnp.repeat(combine, WAD, axis=1)
    moe = jnp.dot(hs, W2_ref[...], preferred_element_type=jnp.float32)
    moe = moe + jnp.dot(combine, b2_ref[...], preferred_element_type=jnp.float32)
    a = _lrelu(jnp.dot(moe, W0_ref[...], preferred_element_type=jnp.float32)
               + b0_ref[...])
    g = _lrelu(jnp.dot(a, W1d_ref[...], preferred_element_type=jnp.float32)
               + b1d_ref[...])
    s = jnp.sum(g * WoT_ref[...], axis=1, keepdims=True) + bo_ref[...]
    out_ref[...] = 1.0 / (1.0 + jnp.exp(-s))
    frac = (total0 + total1) / (B * K)
    p_mean = jnp.sum(ps_ref[...], axis=(0, 1)) / B
    aux_ref[...] = (E * jnp.sum(frac * p_mean)).reshape(1, 1)


def _moe_head(x, tv, ti, h0, h1, ps, W1, b1, W2, b2, W0, b0, W1d, b1d, WoT, bo):
    return pl.pallas_call(
        _moe_head_body,
        grid=(NB,),
        in_specs=[
            pl.BlockSpec((TB, WAD), lambda i: (i, 0)),
            pl.BlockSpec((TB, K), lambda i: (i, 0)),
            pl.BlockSpec((TB, K), lambda i: (i, 0)),
            pl.BlockSpec((NB, 1, E), lambda i: (0, 0, 0)),
            pl.BlockSpec((NB, 1, E), lambda i: (0, 0, 0)),
            pl.BlockSpec((NB, 1, E), lambda i: (0, 0, 0)),
            pl.BlockSpec((WAD, E * WAD), lambda i: (0, 0)),
            pl.BlockSpec((1, E * WAD), lambda i: (0, 0)),
            pl.BlockSpec((E * WAD, WAD), lambda i: (0, 0)),
            pl.BlockSpec((E, WAD), lambda i: (0, 0)),
            pl.BlockSpec((WAD, 3 * WAD), lambda i: (0, 0)),
            pl.BlockSpec((1, 3 * WAD), lambda i: (0, 0)),
            pl.BlockSpec((3 * WAD, WAD), lambda i: (0, 0)),
            pl.BlockSpec((1, WAD), lambda i: (0, 0)),
            pl.BlockSpec((1, WAD), lambda i: (0, 0)),
            pl.BlockSpec((1, 1), lambda i: (0, 0)),
        ],
        out_specs=[
            pl.BlockSpec((TB, 1), lambda i: (i, 0)),
            pl.BlockSpec((1, 1), lambda i: (0, 0)),
        ],
        out_shape=[
            jax.ShapeDtypeStruct((B, 1), jnp.float32),
            jax.ShapeDtypeStruct((1, 1), jnp.float32),
        ],
    )(x, tv, ti, h0, h1, ps, W1, b1, W2, b2, W0, b0, W1d, b1d, WoT, bo)


def kernel(deep_in, wide_in, tables, Wd, bd, Ww, bw, Wr, W1, b1, W2, b2,
           W0, b0, W1d, b1d, Wo, bo):
    tabT = tables.swapaxes(1, 2).reshape(FD, VOCAB)
    tab_flat = _repack(tabT).reshape(NG * VP * 8, DE)
    frow = jnp.arange(PF, dtype=jnp.int32)
    goff = jnp.where(frow < ND, (frow // 8) * VP, 0)[:, None]
    deep_pad = jnp.concatenate(
        [deep_in, jnp.broadcast_to(deep_in[0:1], (PF - ND, B))], axis=0) + goff
    deep_rows = _sc_gather(tab_flat, deep_pad)
    deep4 = deep_rows.reshape(NG, B, 8 * DE)
    Wdp = jnp.pad(Wd.reshape(ND, DE, HALF),
                  ((0, PF - ND), (0, 0), (0, 0))).reshape(PF * DE, HALF)
    x, tv, ti, h0, h1, ps = _ctx_router(
        deep4, wide_in.T, Wdp, bd.reshape(1, HALF), Ww, bw.reshape(1, HALF), Wr)
    W1c = W1.transpose(1, 0, 2).reshape(WAD, E * WAD)
    out, aux = _moe_head(
        x, tv, ti, h0, h1, ps, W1c, b1.reshape(1, E * WAD),
        W2.reshape(E * WAD, WAD), b2, W0, b0.reshape(1, 3 * WAD),
        W1d, b1d.reshape(1, WAD), Wo.reshape(1, WAD), bo.reshape(1, 1))
    return out, aux.reshape(())

# --- scband reference (transcript-rebuilt; emitter-appended) ---
"""Pipeline reference for scband-grec-billshock-90426241450661 (READ-ONLY COPY).

The authoritative reference and input builder live on the scoring server;
editing this copy changes nothing except your own understanding.
"""

import jax, jax.numpy as jnp
import numpy as np

B = 16384
N_DEEP = 26
VOCAB = 100000
DE = 16
NW = 26
WAD = 128
E = 8
K = 2
CAP = 4096


def setup_inputs(seed: int = 0):
    key = jax.random.key(seed)
    ks = jax.random.split(key, 12)
    deep_in = jax.random.randint(ks[0], (N_DEEP, B), 0, VOCAB, dtype=jnp.int32)
    wide_in = jax.random.normal(ks[1], (NW, B), dtype=jnp.float32)
    tables = jax.random.normal(ks[2], (N_DEEP, VOCAB, DE), dtype=jnp.float32) * 0.02
    Wd = jax.random.normal(ks[3], (N_DEEP * DE, WAD // 2), dtype=jnp.float32) * 0.02
    bd = jnp.zeros((WAD // 2,), dtype=jnp.float32)
    Ww = jax.random.normal(ks[4], (NW, WAD // 2), dtype=jnp.float32) * 0.02
    bw = jnp.zeros((WAD // 2,), dtype=jnp.float32)
    Wr = jax.random.normal(ks[5], (WAD, E), dtype=jnp.float32) * 0.02
    W1 = jax.random.normal(ks[6], (E, WAD, WAD), dtype=jnp.float32) * 0.02
    b1 = jnp.zeros((E, WAD), dtype=jnp.float32)
    W2 = jax.random.normal(ks[7], (E, WAD, WAD), dtype=jnp.float32) * 0.02
    b2 = jnp.zeros((E, WAD), dtype=jnp.float32)
    W0 = jax.random.normal(ks[8], (WAD, WAD * 3), dtype=jnp.float32) * 0.02
    b0 = jnp.zeros((WAD * 3,), dtype=jnp.float32)
    W1d = jax.random.normal(ks[9], (WAD * 3, WAD), dtype=jnp.float32) * 0.02
    b1d = jnp.zeros((WAD,), dtype=jnp.float32)
    Wo = jax.random.normal(ks[10], (WAD, 1), dtype=jnp.float32) * 0.02
    bo = jnp.zeros((1,), dtype=jnp.float32)
    return {"deep_in": deep_in, "wide_in": wide_in, "tables": tables, "Wd": Wd, "bd": bd, "Ww": Ww, "bw": bw, "Wr": Wr, "W1": W1, "b1": b1, "W2": W2, "b2": b2, "W0": W0, "b0": b0, "W1d": W1d, "b1d": b1d, "Wo": Wo, "bo": bo}


def _forward(wide_in, tables, Wd, bd, Ww, bw, Wr, W1, b1, W2, b2, W0, b0, W1d, b1d, Wo, bo, deep_in):
    lrelu = lambda v: jax.nn.leaky_relu(v, negative_slope=0.2)
    # ContextHead: per-field embedding lookup (gather), concat, dense halves
    embs = jax.vmap(lambda tab, idx: jnp.take(tab, idx, axis=0))(tables, deep_in)  # [N_DEEP, B, DE]
    deep_cat = jnp.transpose(embs, (1, 0, 2)).reshape(B, N_DEEP * DE)
    deep_out = lrelu(deep_cat @ Wd + bd)
    wide_out = lrelu(wide_in.T @ Ww + bw)
    x = jnp.concatenate([deep_out, wide_out], axis=1)  # [B, WAD]; seq dim of 1 flattened
    # MoE top-K routing with expert capacity
    logits = x @ Wr  # [T, E]
    probs = jax.nn.softmax(logits, axis=-1)
    topk_vals, topk_idx = jax.lax.top_k(probs, K)  # [T, K]
    onehot = jax.nn.one_hot(topk_idx, E, dtype=jnp.float32)  # [T, K, E]
    mask_flat = jnp.transpose(onehot, (1, 0, 2)).reshape(K * B, E)  # k-major priority
    pos = jnp.cumsum(mask_flat, axis=0) - 1.0
    keep = mask_flat * (pos < CAP).astype(jnp.float32)
    keep = jnp.transpose(keep.reshape(K, B, E), (1, 0, 2))  # [T, K, E]
    combine = jnp.sum(topk_vals[:, :, None] * keep, axis=1)  # [T, E]
    h = jax.nn.relu(jnp.einsum('td,edh->eth', x, W1) + b1[:, None, :])
    y = jnp.einsum('eth,ehd->etd', h, W2) + b2[:, None, :]
    moe_out = jnp.einsum('te,etd->td', combine, y)  # dropped tokens -> zeros
    # load-balancing aux loss
    frac = jnp.mean(jnp.sum(onehot, axis=1), axis=0) / K
    p_mean = jnp.mean(probs, axis=0)
    aux_loss = E * jnp.sum(frac * p_mean)
    out = moe_out.reshape(-1, WAD)
    out = lrelu(out @ W0 + b0)
    # dropout is identity in eval mode
    out = lrelu(out @ W1d + b1d)
    out = jax.nn.sigmoid(out @ Wo + bo)
    return out, aux_loss


def reference(deep_in, wide_in, tables, Wd, bd, Ww, bw, Wr, W1, b1, W2, b2, W0, b0, W1d, b1d, Wo, bo):
    return _forward(wide_in, tables, Wd, bd, Ww, bw, Wr, W1, b1, W2, b2, W0, b0, W1d, b1d, Wo, bo, deep_in)

if __name__ == "__main__":
    import jax
    _d = setup_inputs()
    print(jax.jit(kernel)(*tuple(_d.values())))

</pallas_src>

<mosaic_0001>
#map = affine_map<(d0, d1) -> (0, 0)>
#map1 = affine_map<(d0, d1) -> (0, 0, 0)>
module attributes {stable_mosaic.version = 14 : i64} {
  func.func @sc_gather(%arg0: i32, %arg1: i32, %arg2: memref<3211264x16xf32, #tpu.memory_space<hbm>>, %arg3: memref<32x16384xi32, #tpu.memory_space<hbm>>, %arg4: memref<128x4096x16xf32, #tpu.memory_space<hbm>>, %arg5: memref<8x512xi32, #tpu.memory_space<vmem>>, %arg6: memref<4096xi32, #tpu.memory_space<vmem>>, %arg7: memref<4096x16xf32, #tpu.memory_space<vmem>>, %arg8: memref<!tpu.dma_semaphore, #tpu.memory_space<semaphore_mem>>) attributes {dimension_semantics = [#tpu.dimension_semantics<core_parallel>, #tpu.dimension_semantics<subcore_parallel>], iteration_bounds = array<i64: 2, 16>, scalar_prefetch = 0 : i64, scratch_operands = 4 : i64, tpu.core_type = #tpu.core_type<sc_vector_subcore>, window_params = [{transform_indices = #map}, {transform_indices = #map}, {transform_indices = #map1}]} {
    %mul3A = arith.constant 2 : i32
    %mul3A_0 = arith.muli %arg1, %mul3A : i32
    %add3A = arith.addi %mul3A_0, %arg0 : i32
    %iota3A = tpu.iota {dimensions = array<i32: 0>} : vector<16xi32>
    %jit3A = arith.constant 8 : i32
    %eq3A = arith.constant 0 : i32
    %eq3A_1 = arith.cmpi eq, %jit3A, %eq3A : i32
    %jit3A_2 = arith.constant 1 : i32
    %select_n3A = arith.select %eq3A_1, %jit3A_2, %jit3A : i32
    %rem3A = vector.broadcast %select_n3A : i32 to vector<16xi32>
    %rem3A_3 = arith.remsi %iota3A, %rem3A : vector<16xi32>
    %ne3A = arith.constant 0 : i32
    %ne3A_4 = vector.broadcast %ne3A : i32 to vector<16xi32>
    %ne3A_5 = arith.cmpi ne, %rem3A_3, %ne3A_4 : vector<16xi32>
    %lt3A = arith.constant 0 : i32
    %lt3A_6 = vector.broadcast %lt3A : i32 to vector<16xi32>
    %lt3A_7 = arith.cmpi slt, %rem3A_3, %lt3A_6 : vector<16xi32>
    %lt3A_8 = arith.constant 0 : i32
    %lt3A_9 = arith.cmpi slt, %select_n3A, %lt3A_8 : i32
    %ne3A_10 = vector.broadcast %lt3A_9 : i1 to vector<16xi1>
    %ne3A_11 = vector.broadcast %ne3A_10 : vector<16xi1> to vector<16xi1>
    %ne3A_12 = arith.xori %lt3A_7, %ne3A_11 : vector<16xi1>
    %and3A = arith.andi %ne3A_12, %ne3A_5 : vector<16xi1>
    %add3A_13 = vector.broadcast %select_n3A : i32 to vector<16xi32>
    %add3A_14 = arith.addi %rem3A_3, %add3A_13 : vector<16xi32>
    %select_n3A_15 = arith.select %and3A, %add3A_14, %rem3A_3 : vector<16xi1>, vector<16xi32>
    %jit3A_16 = arith.constant 8 : i32
    %div3A = vector.broadcast %jit3A_16 : i32 to vector<16xi32>
    %div3A_17 = arith.divsi %iota3A, %div3A : vector<16xi32>
    %sign3A = arith.constant 0 : i32
    %sign3A_18 = vector.broadcast %sign3A : i32 to vector<16xi32>
    %sign3A_19 = arith.cmpi sgt, %iota3A, %sign3A_18 : vector<16xi32>
    %sign3A_20 = arith.extui %sign3A_19 : vector<16xi1> to vector<16xi32>
    %sign3A_21 = arith.constant 0 : i32
    %sign3A_22 = vector.broadcast %sign3A_21 : i32 to vector<16xi32>
    %sign3A_23 = arith.cmpi slt, %iota3A, %sign3A_22 : vector<16xi32>
    %sign3A_24 = arith.extui %sign3A_23 : vector<16xi1> to vector<16xi32>
    %sign3A_25 = arith.subi %sign3A_20, %sign3A_24 : vector<16xi32>
    %sign3A_26 = arith.constant 0 : i32
    %sign3A_27 = arith.cmpi sgt, %jit3A_16, %sign3A_26 : i32
    %sign3A_28 = arith.extui %sign3A_27 : i1 to i32
    %sign3A_29 = arith.constant 0 : i32
    %sign3A_30 = arith.cmpi slt, %jit3A_16, %sign3A_29 : i32
    %sign3A_31 = arith.extui %sign3A_30 : i1 to i32
    %sign3A_32 = arith.subi %sign3A_28, %sign3A_31 : i32
    %ne3A_33 = vector.broadcast %sign3A_32 : i32 to vector<16xi32>
    %ne3A_34 = arith.cmpi ne, %sign3A_25, %ne3A_33 : vector<16xi32>
    %rem3A_35 = vector.broadcast %jit3A_16 : i32 to vector<16xi32>
    %rem3A_36 = arith.remsi %iota3A, %rem3A_35 : vector<16xi32>
    %ne3A_37 = arith.constant 0 : i32
    %ne3A_38 = vector.broadcast %ne3A_37 : i32 to vector<16xi32>
    %ne3A_39 = arith.cmpi ne, %rem3A_36, %ne3A_38 : vector<16xi32>
    %and3A_40 = arith.andi %ne3A_34, %ne3A_39 : vector<16xi1>
    %sub3A = arith.constant 1 : i32
    %sub3A_41 = vector.broadcast %sub3A : i32 to vector<16xi32>
    %sub3A_42 = arith.subi %div3A_17, %sub3A_41 : vector<16xi32>
    %select_n3A_43 = arith.select %and3A_40, %sub3A_42, %div3A_17 : vector<16xi1>, vector<16xi32>
    %mul3A_44 = arith.constant 4 : i32
    %mul3A_45 = arith.muli %add3A, %mul3A_44 : i32
    %add3A_46 = arith.constant 0 : i32
    %add3A_47 = arith.addi %mul3A_45, %add3A_46 : i32
    %jit3A_48 = arith.constant 32 : i32
    %div3A_49 = arith.divsi %add3A_47, %jit3A_48 : i32
    %sign3A_50 = arith.constant 0 : i32
    %sign3A_51 = arith.cmpi sgt, %add3A_47, %sign3A_50 : i32
    %sign3A_52 = arith.extui %sign3A_51 : i1 to i32
    %sign3A_53 = arith.constant 0 : i32
    %sign3A_54 = arith.cmpi slt, %add3A_47, %sign3A_53 : i32
    %sign3A_55 = arith.extui %sign3A_54 : i1 to i32
    %sign3A_56 = arith.subi %sign3A_52, %sign3A_55 : i32
    %sign3A_57 = arith.constant 0 : i32
    %sign3A_58 = arith.cmpi sgt, %jit3A_48, %sign3A_57 : i32
    %sign3A_59 = arith.extui %sign3A_58 : i1 to i32
    %sign3A_60 = arith.constant 0 : i32
    %sign3A_61 = arith.cmpi slt, %jit3A_48, %sign3A_60 : i32
    %sign3A_62 = arith.extui %sign3A_61 : i1 to i32
    %sign3A_63 = arith.subi %sign3A_59, %sign3A_62 : i32
    %ne3A_64 = arith.cmpi ne, %sign3A_56, %sign3A_63 : i32
    %rem3A_65 = arith.remsi %add3A_47, %jit3A_48 : i32
    %ne3A_66 = arith.constant 0 : i32
    %ne3A_67 = arith.cmpi ne, %rem3A_65, %ne3A_66 : i32
    %and3A_68 = arith.andi %ne3A_64, %ne3A_67 : i1
    %sub3A_69 = arith.constant 1 : i32
    %sub3A_70 = arith.subi %div3A_49, %sub3A_69 : i32
    %select_n3A_71 = arith.select %and3A_68, %sub3A_70, %div3A_49 : i32
    %jit3A_72 = arith.constant 32 : i32
    %eq3A_73 = arith.constant 0 : i32
    %eq3A_74 = arith.cmpi eq, %jit3A_72, %eq3A_73 : i32
    %jit3A_75 = arith.constant 1 : i32
    %select_n3A_76 = arith.select %eq3A_74, %jit3A_75, %jit3A_72 : i32
    %rem3A_77 = arith.remsi %add3A_47, %select_n3A_76 : i32
    %ne3A_78 = arith.constant 0 : i32
    %ne3A_79 = arith.cmpi ne, %rem3A_77, %ne3A_78 : i32
    %lt3A_80 = arith.constant 0 : i32
    %lt3A_81 = arith.cmpi slt, %rem3A_77, %lt3A_80 : i32
    %lt3A_82 = arith.constant 0 : i32
    %lt3A_83 = arith.cmpi slt, %select_n3A_76, %lt3A_82 : i32
    %ne3A_84 = arith.xori %lt3A_81, %lt3A_83 : i1
    %and3A_85 = arith.andi %ne3A_84, %ne3A_79 : i1
    %add3A_86 = arith.addi %rem3A_77, %select_n3A_76 : i32
    %select_n3A_87 = arith.select %and3A_85, %add3A_86, %rem3A_77 : i32
    %mul3A_88 = arith.constant 512 : i32
    %mul3A_89 = arith.muli %select_n3A_87, %mul3A_88 : i32
    %mul3A_90 = arith.constant 8 : i32
    %mul3A_91 = arith.muli %select_n3A_71, %mul3A_90 : i32
    "tpu.region"() ({
      %run_scoped3A = tpu.sem_alloc : memref<!tpu.dma_semaphore, #tpu.memory_space<semaphore_mem>>
      %dma_start3A_281 = tpu.memref_slice %arg3[%mul3A_91, %mul3A_89] : memref<32x16384xi32, #tpu.memory_space<hbm>> -> memref<8x512xi32, #tpu.memory_space<hbm>>
      %dma_start3A_282 = tpu.memref_slice %arg3[%mul3A_91, %mul3A_89] : memref<32x16384xi32, #tpu.memory_space<hbm>> -> memref<8x512xi32, #tpu.memory_space<hbm>>
      tpu.enqueue_dma source(%dma_start3A_282 : memref<8x512xi32, #tpu.memory_space<hbm>>) target(%arg5 : memref<8x512xi32, #tpu.memory_space<vmem>>) target_semaphore(%run_scoped3A : memref<!tpu.dma_semaphore, #tpu.memory_space<semaphore_mem>>)
      %dma_wait3A_283 = tpu.memref_slice %arg3[%mul3A_91, %mul3A_89] : memref<32x16384xi32, #tpu.memory_space<hbm>> -> memref<8x512xi32, #tpu.memory_space<hbm>>
      %dma_wait3A_284 = tpu.memref_slice %arg3[%mul3A_91, %mul3A_89] : memref<32x16384xi32, #tpu.memory_space<hbm>> -> memref<8x512xi32, #tpu.memory_space<hbm>>
      tpu.wait_dma2 semaphore(%run_scoped3A : memref<!tpu.dma_semaphore, #tpu.memory_space<semaphore_mem>>) src(%dma_wait3A_284 : memref<8x512xi32, #tpu.memory_space<hbm>>) dst(%arg5 : memref<8x512xi32, #tpu.memory_space<vmem>>)
      tpu.yield
    }) : () -> ()
    %scan3A = arith.constant 0 : i32
    %scan3A_92 = arith.constant 256 : i32
    %scan3A_93 = arith.addi %scan3A, %scan3A_92 : i32
    %scan3A_94 = arith.constant 1 : i32
    %scan3A_95 = scf.for %scan3A_281 = %scan3A to %scan3A_93 step %scan3A_94 iter_args(%scan3A_282 = %select_n3A_43) -> (vector<16xi32>)  : i32 {
      %gather3A = tpu.vector_load_idx %arg5[%select_n3A_15, %scan3A_282] : memref<8x512xi32, #tpu.memory_space<vmem>>[vector<16xi32>, vector<16xi32>], vector<16xi32>,
      %mul3A_283 = arith.constant 8 : i32
      %mul3A_284 = vector.broadcast %mul3A_283 : i32 to vector<16xi32>
      %mul3A_285 = arith.muli %gather3A, %mul3A_284 : vector<16xi32>
      %add3A_286 = arith.addi %mul3A_285, %select_n3A_15 : vector<16xi32>
      %mul3A_287 = arith.constant 16 : i32
      %mul3A_288 = arith.muli %scan3A_281, %mul3A_287 : i32
      %swap3A = arith.index_cast %mul3A_288 : i32 to index
      %swap3A_289 = tpu.vector_load %arg6[%swap3A] {strides = array<i32>} : memref<4096xi32, #tpu.memory_space<vmem>>, vector<16xi32>,
      tpu.vector_store %arg6[%swap3A], %add3A_286 {strides = array<i32>} : memref<4096xi32, #tpu.memory_space<vmem>>, vector<16xi32>,
      %add3A_290 = arith.constant 2 : i32
      %add3A_291 = vector.broadcast %add3A_290 : i32 to vector<16xi32>
      %add3A_292 = arith.addi %scan3A_282, %add3A_291 : vector<16xi32>
      scf.yield %add3A_292 : vector<16xi32>
    }
    %scan3A_96 = arith.constant 256 : i32
    %dma_start3A = arith.constant 0 : i32
    %dma_start3A_97 = arith.constant 0 : i32
    %dma_start3A_98 = tpu.memref_slice %arg2[%dma_start3A, %dma_start3A_97] : memref<3211264x16xf32, #tpu.memory_space<hbm>> -> memref<3211264x16xf32, #tpu.memory_space<hbm>>
    tpu.enqueue_indirect_dma source(%dma_start3A_98 : memref<3211264x16xf32, #tpu.memory_space<hbm>>) target(%arg7 : memref<4096x16xf32, #tpu.memory_space<vmem>>) offsets(%arg6 : memref<4096xi32, #tpu.memory_space<vmem>>) semaphore(%arg8 : memref<!tpu.dma_semaphore, #tpu.memory_space<semaphore_mem>>)
    %dma_wait3A = arith.constant 0 : i32
    %dma_wait3A_99 = arith.constant 0 : i32
    %dma_wait3A_100 = tpu.memref_slice %arg2[%dma_wait3A, %dma_wait3A_99] : memref<3211264x16xf32, #tpu.memory_space<hbm>> -> memref<3211264x16xf32, #tpu.memory_space<hbm>>
    tpu.wait_indirect_dma semaphore(%arg8 : memref<!tpu.dma_semaphore, #tpu.memory_space<semaphore_mem>>) src(%dma_wait3A_100 : memref<3211264x16xf32, #tpu.memory_space<hbm>>) dst(%arg7 : memref<4096x16xf32, #tpu.memory_space<vmem>>)
    "tpu.region"() ({
      %run_scoped3A = tpu.sem_alloc : memref<!tpu.dma_semaphore, #tpu.memory_space<semaphore_mem>>
      %dma_start3A_281 = arith.constant 0 : i32
      %dma_start3A_282 = arith.constant 0 : i32
      %dma_start3A_283 = tpu.memref_slice %arg4[%add3A_47, %dma_start3A_281, %dma_start3A_282] : memref<128x4096x16xf32, #tpu.memory_space<hbm>> -> memref<1x4096x16xf32, #tpu.memory_space<hbm>>
      %dma_start3A_284 = tpu.memref_squeeze %dma_start3A_283 : memref<1x4096x16xf32, #tpu.memory_space<hbm>> -> memref<4096x16xf32, #tpu.memory_space<hbm>>
      %dma_start3A_285 = arith.constant 0 : i32
      %dma_start3A_286 = arith.constant 0 : i32
      %dma_start3A_287 = tpu.memref_slice %arg4[%add3A_47, %dma_start3A_285, %dma_start3A_286] : memref<128x4096x16xf32, #tpu.memory_space<hbm>> -> memref<1x4096x16xf32, #tpu.memory_space<hbm>>
      %dma_start3A_288 = tpu.memref_squeeze %dma_start3A_287 : memref<1x4096x16xf32, #tpu.memory_space<hbm>> -> memref<4096x16xf32, #tpu.memory_space<hbm>>
      tpu.enqueue_dma source(%arg7 : memref<4096x16xf32, #tpu.memory_space<vmem>>) target(%dma_start3A_288 : memref<4096x16xf32, #tpu.memory_space<hbm>>) target_semaphore(%run_scoped3A : memref<!tpu.dma_semaphore, #tpu.memory_space<semaphore_mem>>)
      %dma_wait3A_289 = arith.constant 0 : i32
      %dma_wait3A_290 = arith.constant 0 : i32
      %dma_wait3A_291 = tpu.memref_slice %arg4[%add3A_47, %dma_wait3A_289, %dma_wait3A_290] : memref<128x4096x16xf32, #tpu.memory_space<hbm>> -> memref<1x4096x16xf32, #tpu.memory_space<hbm>>
      %dma_wait3A_292 = tpu.memref_squeeze %dma_wait3A_291 : memref<1x4096x16xf32, #tpu.memory_space<hbm>> -> memref<4096x16xf32, #tpu.memory_space<hbm>>
      %dma_wait3A_293 = arith.constant 0 : i32
      %dma_wait3A_294 = arith.constant 0 : i32
      %dma_wait3A_295 = tpu.memref_slice %arg4[%add3A_47, %dma_wait3A_293, %dma_wait3A_294] : memref<128x4096x16xf32, #tpu.memory_space<hbm>> -> memref<1x4096x16xf32, #tpu.memory_space<hbm>>
      %dma_wait3A_296 = tpu.memref_squeeze %dma_wait3A_295 : memref<1x4096x16xf32, #tpu.memory_space<hbm>> -> memref<4096x16xf32, #tpu.memory_space<hbm>>
      tpu.wait_dma2 semaphore(%run_scoped3A : memref<!tpu.dma_semaphore, #tpu.memory_space<semaphore_mem>>) src(%arg7 : memref<4096x16xf32, #tpu.memory_space<vmem>>) dst(%dma_wait3A_296 : memref<4096x16xf32, #tpu.memory_space<hbm>>)
      tpu.yield
    }) : () -> ()
    %mul3A_101 = arith.constant 4 : i32
    %mul3A_102 = arith.muli %add3A, %mul3A_101 : i32
    %add3A_103 = arith.constant 1 : i32
    %add3A_104 = arith.addi %mul3A_102, %add3A_103 : i32
    %jit3A_105 = arith.constant 32 : i32
    %div3A_106 = arith.divsi %add3A_104, %jit3A_105 : i32
    %sign3A_107 = arith.constant 0 : i32
    %sign3A_108 = arith.cmpi sgt, %add3A_104, %sign3A_107 : i32
    %sign3A_109 = arith.extui %sign3A_108 : i1 to i32
    %sign3A_110 = arith.constant 0 : i32
    %sign3A_111 = arith.cmpi slt, %add3A_104, %sign3A_110 : i32
    %sign3A_112 = arith.extui %sign3A_111 : i1 to i32
    %sign3A_113 = arith.subi %sign3A_109, %sign3A_112 : i32
    %sign3A_114 = arith.constant 0 : i32
    %sign3A_115 = arith.cmpi sgt, %jit3A_105, %sign3A_114 : i32
    %sign3A_116 = arith.extui %sign3A_115 : i1 to i32
    %sign3A_117 = arith.constant 0 : i32
    %sign3A_118 = arith.cmpi slt, %jit3A_105, %sign3A_117 : i32
    %sign3A_119 = arith.extui %sign3A_118 : i1 to i32
    %sign3A_120 = arith.subi %sign3A_116, %sign3A_119 : i32
    %ne3A_121 = arith.cmpi ne, %sign3A_113, %sign3A_120 : i32
    %rem3A_122 = arith.remsi %add3A_104, %jit3A_105 : i32
    %ne3A_123 = arith.constant 0 : i32
    %ne3A_124 = arith.cmpi ne, %rem3A_122, %ne3A_123 : i32
    %and3A_125 = arith.andi %ne3A_121, %ne3A_124 : i1
    %sub3A_126 = arith.constant 1 : i32
    %sub3A_127 = arith.subi %div3A_106, %sub3A_126 : i32
    %select_n3A_128 = arith.select %and3A_125, %sub3A_127, %div3A_106 : i32
    %jit3A_129 = arith.constant 32 : i32
    %eq3A_130 = arith.constant 0 : i32
    %eq3A_131 = arith.cmpi eq, %jit3A_129, %eq3A_130 : i32
    %jit3A_132 = arith.constant 1 : i32
    %select_n3A_133 = arith.select %eq3A_131, %jit3A_132, %jit3A_129 : i32
    %rem3A_134 = arith.remsi %add3A_104, %select_n3A_133 : i32
    %ne3A_135 = arith.constant 0 : i32
    %ne3A_136 = arith.cmpi ne, %rem3A_134, %ne3A_135 : i32
    %lt3A_137 = arith.constant 0 : i32
    %lt3A_138 = arith.cmpi slt, %rem3A_134, %lt3A_137 : i32
    %lt3A_139 = arith.constant 0 : i32
    %lt3A_140 = arith.cmpi slt, %select_n3A_133, %lt3A_139 : i32
    %ne3A_141 = arith.xori %lt3A_138, %lt3A_140 : i1
    %and3A_142 = arith.andi %ne3A_141, %ne3A_136 : i1
    %add3A_143 = arith.addi %rem3A_134, %select_n3A_133 : i32
    %select_n3A_144 = arith.select %and3A_142, %add3A_143, %rem3A_134 : i32
    %mul3A_145 = arith.constant 512 : i32
    %mul3A_146 = arith.muli %select_n3A_144, %mul3A_145 : i32
    %mul3A_147 = arith.constant 8 : i32
    %mul3A_148 = arith.muli %select_n3A_128, %mul3A_147 : i32
    "tpu.region"() ({
      %run_scoped3A = tpu.sem_alloc : memref<!tpu.dma_semaphore, #tpu.memory_space<semaphore_mem>>
      %dma_start3A_281 = tpu.memref_slice %arg3[%mul3A_148, %mul3A_146] : memref<32x16384xi32, #tpu.memory_space<hbm>> -> memref<8x512xi32, #tpu.memory_space<hbm>>
      %dma_start3A_282 = tpu.memref_slice %arg3[%mul3A_148, %mul3A_146] : memref<32x16384xi32, #tpu.memory_space<hbm>> -> memref<8x512xi32, #tpu.memory_space<hbm>>
      tpu.enqueue_dma source(%dma_start3A_282 : memref<8x512xi32, #tpu.memory_space<hbm>>) target(%arg5 : memref<8x512xi32, #tpu.memory_space<vmem>>) target_semaphore(%run_scoped3A : memref<!tpu.dma_semaphore, #tpu.memory_space<semaphore_mem>>)
      %dma_wait3A_283 = tpu.memref_slice %arg3[%mul3A_148, %mul3A_146] : memref<32x16384xi32, #tpu.memory_space<hbm>> -> memref<8x512xi32, #tpu.memory_space<hbm>>
      %dma_wait3A_284 = tpu.memref_slice %arg3[%mul3A_148, %mul3A_146] : memref<32x16384xi32, #tpu.memory_space<hbm>> -> memref<8x512xi32, #tpu.memory_space<hbm>>
      tpu.wait_dma2 semaphore(%run_scoped3A : memref<!tpu.dma_semaphore, #tpu.memory_space<semaphore_mem>>) src(%dma_wait3A_284 : memref<8x512xi32, #tpu.memory_space<hbm>>) dst(%arg5 : memref<8x512xi32, #tpu.memory_space<vmem>>)
      tpu.yield
    }) : () -> ()
    %scan3A_149 = arith.constant 0 : i32
    %scan3A_150 = arith.constant 256 : i32
    %scan3A_151 = arith.addi %scan3A_149, %scan3A_150 : i32
    %scan3A_152 = arith.constant 1 : i32
    %scan3A_153 = scf.for %scan3A_281 = %scan3A_149 to %scan3A_151 step %scan3A_152 iter_args(%scan3A_282 = %select_n3A_43) -> (vector<16xi32>)  : i32 {
      %gather3A = tpu.vector_load_idx %arg5[%select_n3A_15, %scan3A_282] : memref<8x512xi32, #tpu.memory_space<vmem>>[vector<16xi32>, vector<16xi32>], vector<16xi32>,
      %mul3A_283 = arith.constant 8 : i32
      %mul3A_284 = vector.broadcast %mul3A_283 : i32 to vector<16xi32>
      %mul3A_285 = arith.muli %gather3A, %mul3A_284 : vector<16xi32>
      %add3A_286 = arith.addi %mul3A_285, %select_n3A_15 : vector<16xi32>
      %mul3A_287 = arith.constant 16 : i32
      %mul3A_288 = arith.muli %scan3A_281, %mul3A_287 : i32
      %swap3A = arith.index_cast %mul3A_288 : i32 to index
      %swap3A_289 = tpu.vector_load %arg6[%swap3A] {strides = array<i32>} : memref<4096xi32, #tpu.memory_space<vmem>>, vector<16xi32>,
      tpu.vector_store %arg6[%swap3A], %add3A_286 {strides = array<i32>} : memref<4096xi32, #tpu.memory_space<vmem>>, vector<16xi32>,
      %add3A_290 = arith.constant 2 : i32
      %add3A_291 = vector.broadcast %add3A_290 : i32 to vector<16xi32>
      %add3A_292 = arith.addi %scan3A_282, %add3A_291 : vector<16xi32>
      scf.yield %add3A_292 : vector<16xi32>
    }
    %scan3A_154 = arith.constant 256 : i32
    %dma_start3A_155 = arith.constant 0 : i32
    %dma_start3A_156 = arith.constant 0 : i32
    %dma_start3A_157 = tpu.memref_slice %arg2[%dma_start3A_155, %dma_start3A_156] : memref<3211264x16xf32, #tpu.memory_space<hbm>> -> memref<3211264x16xf32, #tpu.memory_space<hbm>>
    tpu.enqueue_indirect_dma source(%dma_start3A_157 : memref<3211264x16xf32, #tpu.memory_space<hbm>>) target(%arg7 : memref<4096x16xf32, #tpu.memory_space<vmem>>) offsets(%arg6 : memref<4096xi32, #tpu.memory_space<vmem>>) semaphore(%arg8 : memref<!tpu.dma_semaphore, #tpu.memory_space<semaphore_mem>>)
    %dma_wait3A_158 = arith.constant 0 : i32
    %dma_wait3A_159 = arith.constant 0 : i32
    %dma_wait3A_160 = tpu.memref_slice %arg2[%dma_wait3A_158, %dma_wait3A_159] : memref<3211264x16xf32, #tpu.memory_space<hbm>> -> memref<3211264x16xf32, #tpu.memory_space<hbm>>
    tpu.wait_indirect_dma semaphore(%arg8 : memref<!tpu.dma_semaphore, #tpu.memory_space<semaphore_mem>>) src(%dma_wait3A_160 : memref<3211264x16xf32, #tpu.memory_space<hbm>>) dst(%arg7 : memref<4096x16xf32, #tpu.memory_space<vmem>>)
    "tpu.region"() ({
      %run_scoped3A = tpu.sem_alloc : memref<!tpu.dma_semaphore, #tpu.memory_space<semaphore_mem>>
      %dma_start3A_281 = arith.constant 0 : i32
      %dma_start3A_282 = arith.constant 0 : i32
      %dma_start3A_283 = tpu.memref_slice %arg4[%add3A_104, %dma_start3A_281, %dma_start3A_282] : memref<128x4096x16xf32, #tpu.memory_space<hbm>> -> memref<1x4096x16xf32, #tpu.memory_space<hbm>>
      %dma_start3A_284 = tpu.memref_squeeze %dma_start3A_283 : memref<1x4096x16xf32, #tpu.memory_space<hbm>> -> memref<4096x16xf32, #tpu.memory_space<hbm>>
      %dma_start3A_285 = arith.constant 0 : i32
      %dma_start3A_286 = arith.constant 0 : i32
      %dma_start3A_287 = tpu.memref_slice %arg4[%add3A_104, %dma_start3A_285, %dma_start3A_286] : memref<128x4096x16xf32, #tpu.memory_space<hbm>> -> memref<1x4096x16xf32, #tpu.memory_space<hbm>>
      %dma_start3A_288 = tpu.memref_squeeze %dma_start3A_287 : memref<1x4096x16xf32, #tpu.memory_space<hbm>> -> memref<4096x16xf32, #tpu.memory_space<hbm>>
      tpu.enqueue_dma source(%arg7 : memref<4096x16xf32, #tpu.memory_space<vmem>>) target(%dma_start3A_288 : memref<4096x16xf32, #tpu.memory_space<hbm>>) target_semaphore(%run_scoped3A : memref<!tpu.dma_semaphore, #tpu.memory_space<semaphore_mem>>)
      %dma_wait3A_289 = arith.constant 0 : i32
      %dma_wait3A_290 = arith.constant 0 : i32
      %dma_wait3A_291 = tpu.memref_slice %arg4[%add3A_104, %dma_wait3A_289, %dma_wait3A_290] : memref<128x4096x16xf32, #tpu.memory_space<hbm>> -> memref<1x4096x16xf32, #tpu.memory_space<hbm>>
      %dma_wait3A_292 = tpu.memref_squeeze %dma_wait3A_291 : memref<1x4096x16xf32, #tpu.memory_space<hbm>> -> memref<4096x16xf32, #tpu.memory_space<hbm>>
      %dma_wait3A_293 = arith.constant 0 : i32
      %dma_wait3A_294 = arith.constant 0 : i32
      %dma_wait3A_295 = tpu.memref_slice %arg4[%add3A_104, %dma_wait3A_293, %dma_wait3A_294] : memref<128x4096x16xf32, #tpu.memory_space<hbm>> -> memref<1x4096x16xf32, #tpu.memory_space<hbm>>
      %dma_wait3A_296 = tpu.memref_squeeze %dma_wait3A_295 : memref<1x4096x16xf32, #tpu.memory_space<hbm>> -> memref<4096x16xf32, #tpu.memory_space<hbm>>
      tpu.wait_dma2 semaphore(%run_scoped3A : memref<!tpu.dma_semaphore, #tpu.memory_space<semaphore_mem>>) src(%arg7 : memref<4096x16xf32, #tpu.memory_space<vmem>>) dst(%dma_wait3A_296 : memref<4096x16xf32, #tpu.memory_space<hbm>>)
      tpu.yield
    }) : () -> ()
    %mul3A_161 = arith.constant 4 : i32
    %mul3A_162 = arith.muli %add3A, %mul3A_161 : i32
    %add3A_163 = arith.constant 2 : i32
    %add3A_164 = arith.addi %mul3A_162, %add3A_163 : i32
    %jit3A_165 = arith.constant 32 : i32
    %div3A_166 = arith.divsi %add3A_164, %jit3A_165 : i32
    %sign3A_167 = arith.constant 0 : i32
    %sign3A_168 = arith.cmpi sgt, %add3A_164, %sign3A_167 : i32
    %sign3A_169 = arith.extui %sign3A_168 : i1 to i32
    %sign3A_170 = arith.constant 0 : i32
    %sign3A_171 = arith.cmpi slt, %add3A_164, %sign3A_170 : i32
    %sign3A_172 = arith.extui %sign3A_171 : i1 to i32
    %sign3A_173 = arith.subi %sign3A_169, %sign3A_172 : i32
    %sign3A_174 = arith.constant 0 : i32
    %sign3A_175 = arith.cmpi sgt, %jit3A_165, %sign3A_174 : i32
    %sign3A_176 = arith.extui %sign3A_175 : i1 to i32
    %sign3A_177 = arith.constant 0 : i32
    %sign3A_178 = arith.cmpi slt, %jit3A_165, %sign3A_177 : i32
    %sign3A_179 = arith.extui %sign3A_178 : i1 to i32
    %sign3A_180 = arith.subi %sign3A_176, %sign3A_179 : i32
    %ne3A_181 = arith.cmpi ne, %sign3A_173, %sign3A_180 : i32
    %rem3A_182 = arith.remsi %add3A_164, %jit3A_165 : i32
    %ne3A_183 = arith.constant 0 : i32
    %ne3A_184 = arith.cmpi ne, %rem3A_182, %ne3A_183 : i32
    %and3A_185 = arith.andi %ne3A_181, %ne3A_184 : i1
    %sub3A_186 = arith.constant 1 : i32
    %sub3A_187 = arith.subi %div3A_166, %sub3A_186 : i32
    %select_n3A_188 = arith.select %and3A_185, %sub3A_187, %div3A_166 : i32
    %jit3A_189 = arith.constant 32 : i32
    %eq3A_190 = arith.constant 0 : i32
    %eq3A_191 = arith.cmpi eq, %jit3A_189, %eq3A_190 : i32
    %jit3A_192 = arith.constant 1 : i32
    %select_n3A_193 = arith.select %eq3A_191, %jit3A_192, %jit3A_189 : i32
    %rem3A_194 = arith.remsi %add3A_164, %select_n3A_193 : i32
    %ne3A_195 = arith.constant 0 : i32
    %ne3A_196 = arith.cmpi ne, %rem3A_194, %ne3A_195 : i32
    %lt3A_197 = arith.constant 0 : i32
    %lt3A_198 = arith.cmpi slt, %rem3A_194, %lt3A_197 : i32
    %lt3A_199 = arith.constant 0 : i32
    %lt3A_200 = arith.cmpi slt, %select_n3A_193, %lt3A_199 : i32
    %ne3A_201 = arith.xori %lt3A_198, %lt3A_200 : i1
    %and3A_202 = arith.andi %ne3A_201, %ne3A_196 : i1
    %add3A_203 = arith.addi %rem3A_194, %select_n3A_193 : i32
    %select_n3A_204 = arith.select %and3A_202, %add3A_203, %rem3A_194 : i32
    %mul3A_205 = arith.constant 512 : i32
    %mul3A_206 = arith.muli %select_n3A_204, %mul3A_205 : i32
    %mul3A_207 = arith.constant 8 : i32
    %mul3A_208 = arith.muli %select_n3A_188, %mul3A_207 : i32
    "tpu.region"() ({
      %run_scoped3A = tpu.sem_alloc : memref<!tpu.dma_semaphore, #tpu.memory_space<semaphore_mem>>
      %dma_start3A_281 = tpu.memref_slice %arg3[%mul3A_208, %mul3A_206] : memref<32x16384xi32, #tpu.memory_space<hbm>> -> memref<8x512xi32, #tpu.memory_space<hbm>>
      %dma_start3A_282 = tpu.memref_slice %arg3[%mul3A_208, %mul3A_206] : memref<32x16384xi32, #tpu.memory_space<hbm>> -> memref<8x512xi32, #tpu.memory_space<hbm>>
      tpu.enqueue_dma source(%dma_start3A_282 : memref<8x512xi32, #tpu.memory_space<hbm>>) target(%arg5 : memref<8x512xi32, #tpu.memory_space<vmem>>) target_semaphore(%run_scoped3A : memref<!tpu.dma_semaphore, #tpu.memory_space<semaphore_mem>>)
      %dma_wait3A_283 = tpu.memref_slice %arg3[%mul3A_208, %mul3A_206] : memref<32x16384xi32, #tpu.memory_space<hbm>> -> memref<8x512xi32, #tpu.memory_space<hbm>>
      %dma_wait3A_284 = tpu.memref_slice %arg3[%mul3A_208, %mul3A_206] : memref<32x16384xi32, #tpu.memory_space<hbm>> -> memref<8x512xi32, #tpu.memory_space<hbm>>
      tpu.wait_dma2 semaphore(%run_scoped3A : memref<!tpu.dma_semaphore, #tpu.memory_space<semaphore_mem>>) src(%dma_wait3A_284 : memref<8x512xi32, #tpu.memory_space<hbm>>) dst(%arg5 : memref<8x512xi32, #tpu.memory_space<vmem>>)
      tpu.yield
    }) : () -> ()
    %scan3A_209 = arith.constant 0 : i32
    %scan3A_210 = arith.constant 256 : i32
    %scan3A_211 = arith.addi %scan3A_209, %scan3A_210 : i32
    %scan3A_212 = arith.constant 1 : i32
    %scan3A_213 = scf.for %scan3A_281 = %scan3A_209 to %scan3A_211 step %scan3A_212 iter_args(%scan3A_282 = %select_n3A_43) -> (vector<16xi32>)  : i32 {
      %gather3A = tpu.vector_load_idx %arg5[%select_n3A_15, %scan3A_282] : memref<8x512xi32, #tpu.memory_space<vmem>>[vector<16xi32>, vector<16xi32>], vector<16xi32>,
      %mul3A_283 = arith.constant 8 : i32
      %mul3A_284 = vector.broadcast %mul3A_283 : i32 to vector<16xi32>
      %mul3A_285 = arith.muli %gather3A, %mul3A_284 : vector<16xi32>
      %add3A_286 = arith.addi %mul3A_285, %select_n3A_15 : vector<16xi32>
      %mul3A_287 = arith.constant 16 : i32
      %mul3A_288 = arith.muli %scan3A_281, %mul3A_287 : i32
      %swap3A = arith.index_cast %mul3A_288 : i32 to index
      %swap3A_289 = tpu.vector_load %arg6[%swap3A] {strides = array<i32>} : memref<4096xi32, #tpu.memory_space<vmem>>, vector<16xi32>,
      tpu.vector_store %arg6[%swap3A], %add3A_286 {strides = array<i32>} : memref<4096xi32, #tpu.memory_space<vmem>>, vector<16xi32>,
      %add3A_290 = arith.constant 2 : i32
      %add3A_291 = vector.broadcast %add3A_290 : i32 to vector<16xi32>
      %add3A_292 = arith.addi %scan3A_282, %add3A_291 : vector<16xi32>
      scf.yield %add3A_292 : vector<16xi32>
    }
    %scan3A_214 = arith.constant 256 : i32
    %dma_start3A_215 = arith.constant 0 : i32
    %dma_start3A_216 = arith.constant 0 : i32
    %dma_start3A_217 = tpu.memref_slice %arg2[%dma_start3A_215, %dma_start3A_216] : memref<3211264x16xf32, #tpu.memory_space<hbm>> -> memref<3211264x16xf32, #tpu.memory_space<hbm>>
    tpu.enqueue_indirect_dma source(%dma_start3A_217 : memref<3211264x16xf32, #tpu.memory_space<hbm>>) target(%arg7 : memref<4096x16xf32, #tpu.memory_space<vmem>>) offsets(%arg6 : memref<4096xi32, #tpu.memory_space<vmem>>) semaphore(%arg8 : memref<!tpu.dma_semaphore, #tpu.memory_space<semaphore_mem>>)
    %dma_wait3A_218 = arith.constant 0 : i32
    %dma_wait3A_219 = arith.constant 0 : i32
    %dma_wait3A_220 = tpu.memref_slice %arg2[%dma_wait3A_218, %dma_wait3A_219] : memref<3211264x16xf32, #tpu.memory_space<hbm>> -> memref<3211264x16xf32, #tpu.memory_space<hbm>>
    tpu.wait_indirect_dma semaphore(%arg8 : memref<!tpu.dma_semaphore, #tpu.memory_space<semaphore_mem>>) src(%dma_wait3A_220 : memref<3211264x16xf32, #tpu.memory_space<hbm>>) dst(%arg7 : memref<4096x16xf32, #tpu.memory_space<vmem>>)
    "tpu.region"() ({
      %run_scoped3A = tpu.sem_alloc : memref<!tpu.dma_semaphore, #tpu.memory_space<semaphore_mem>>
      %dma_start3A_281 = arith.constant 0 : i32
      %dma_start3A_282 = arith.constant 0 : i32
      %dma_start3A_283 = tpu.memref_slice %arg4[%add3A_164, %dma_start3A_281, %dma_start3A_282] : memref<128x4096x16xf32, #tpu.memory_space<hbm>> -> memref<1x4096x16xf32, #tpu.memory_space<hbm>>
      %dma_start3A_284 = tpu.memref_squeeze %dma_start3A_283 : memref<1x4096x16xf32, #tpu.memory_space<hbm>> -> memref<4096x16xf32, #tpu.memory_space<hbm>>
      %dma_start3A_285 = arith.constant 0 : i32
      %dma_start3A_286 = arith.constant 0 : i32
      %dma_start3A_287 = tpu.memref_slice %arg4[%add3A_164, %dma_start3A_285, %dma_start3A_286] : memref<128x4096x16xf32, #tpu.memory_space<hbm>> -> memref<1x4096x16xf32, #tpu.memory_space<hbm>>
      %dma_start3A_288 = tpu.memref_squeeze %dma_start3A_287 : memref<1x4096x16xf32, #tpu.memory_space<hbm>> -> memref<4096x16xf32, #tpu.memory_space<hbm>>
      tpu.enqueue_dma source(%arg7 : memref<4096x16xf32, #tpu.memory_space<vmem>>) target(%dma_start3A_288 : memref<4096x16xf32, #tpu.memory_space<hbm>>) target_semaphore(%run_scoped3A : memref<!tpu.dma_semaphore, #tpu.memory_space<semaphore_mem>>)
      %dma_wait3A_289 = arith.constant 0 : i32
      %dma_wait3A_290 = arith.constant 0 : i32
      %dma_wait3A_291 = tpu.memref_slice %arg4[%add3A_164, %dma_wait3A_289, %dma_wait3A_290] : memref<128x4096x16xf32, #tpu.memory_space<hbm>> -> memref<1x4096x16xf32, #tpu.memory_space<hbm>>
      %dma_wait3A_292 = tpu.memref_squeeze %dma_wait3A_291 : memref<1x4096x16xf32, #tpu.memory_space<hbm>> -> memref<4096x16xf32, #tpu.memory_space<hbm>>
      %dma_wait3A_293 = arith.constant 0 : i32
      %dma_wait3A_294 = arith.constant 0 : i32
      %dma_wait3A_295 = tpu.memref_slice %arg4[%add3A_164, %dma_wait3A_293, %dma_wait3A_294] : memref<128x4096x16xf32, #tpu.memory_space<hbm>> -> memref<1x4096x16xf32, #tpu.memory_space<hbm>>
      %dma_wait3A_296 = tpu.memref_squeeze %dma_wait3A_295 : memref<1x4096x16xf32, #tpu.memory_space<hbm>> -> memref<4096x16xf32, #tpu.memory_space<hbm>>
      tpu.wait_dma2 semaphore(%run_scoped3A : memref<!tpu.dma_semaphore, #tpu.memory_space<semaphore_mem>>) src(%arg7 : memref<4096x16xf32, #tpu.memory_space<vmem>>) dst(%dma_wait3A_296 : memref<4096x16xf32, #tpu.memory_space<hbm>>)
      tpu.yield
    }) : () -> ()
    %mul3A_221 = arith.constant 4 : i32
    %mul3A_222 = arith.muli %add3A, %mul3A_221 : i32
    %add3A_223 = arith.constant 3 : i32
    %add3A_224 = arith.addi %mul3A_222, %add3A_223 : i32
    %jit3A_225 = arith.constant 32 : i32
    %div3A_226 = arith.divsi %add3A_224, %jit3A_225 : i32
    %sign3A_227 = arith.constant 0 : i32
    %sign3A_228 = arith.cmpi sgt, %add3A_224, %sign3A_227 : i32
    %sign3A_229 = arith.extui %sign3A_228 : i1 to i32
    %sign3A_230 = arith.constant 0 : i32
    %sign3A_231 = arith.cmpi slt, %add3A_224, %sign3A_230 : i32
    %sign3A_232 = arith.extui %sign3A_231 : i1 to i32
    %sign3A_233 = arith.subi %sign3A_229, %sign3A_232 : i32
    %sign3A_234 = arith.constant 0 : i32
    %sign3A_235 = arith.cmpi sgt, %jit3A_225, %sign3A_234 : i32
    %sign3A_236 = arith.extui %sign3A_235 : i1 to i32
    %sign3A_237 = arith.constant 0 : i32
    %sign3A_238 = arith.cmpi slt, %jit3A_225, %sign3A_237 : i32
    %sign3A_239 = arith.extui %sign3A_238 : i1 to i32
    %sign3A_240 = arith.subi %sign3A_236, %sign3A_239 : i32
    %ne3A_241 = arith.cmpi ne, %sign3A_233, %sign3A_240 : i32
    %rem3A_242 = arith.remsi %add3A_224, %jit3A_225 : i32
    %ne3A_243 = arith.constant 0 : i32
    %ne3A_244 = arith.cmpi ne, %rem3A_242, %ne3A_243 : i32
    %and3A_245 = arith.andi %ne3A_241, %ne3A_244 : i1
    %sub3A_246 = arith.constant 1 : i32
    %sub3A_247 = arith.subi %div3A_226, %sub3A_246 : i32
    %select_n3A_248 = arith.select %and3A_245, %sub3A_247, %div3A_226 : i32
    %jit3A_249 = arith.constant 32 : i32
    %eq3A_250 = arith.constant 0 : i32
    %eq3A_251 = arith.cmpi eq, %jit3A_249, %eq3A_250 : i32
    %jit3A_252 = arith.constant 1 : i32
    %select_n3A_253 = arith.select %eq3A_251, %jit3A_252, %jit3A_249 : i32
    %rem3A_254 = arith.remsi %add3A_224, %select_n3A_253 : i32
    %ne3A_255 = arith.constant 0 : i32
    %ne3A_256 = arith.cmpi ne, %rem3A_254, %ne3A_255 : i32
    %lt3A_257 = arith.constant 0 : i32
    %lt3A_258 = arith.cmpi slt, %rem3A_254, %lt3A_257 : i32
    %lt3A_259 = arith.constant 0 : i32
    %lt3A_260 = arith.cmpi slt, %select_n3A_253, %lt3A_259 : i32
    %ne3A_261 = arith.xori %lt3A_258, %lt3A_260 : i1
    %and3A_262 = arith.andi %ne3A_261, %ne3A_256 : i1
    %add3A_263 = arith.addi %rem3A_254, %select_n3A_253 : i32
    %select_n3A_264 = arith.select %and3A_262, %add3A_263, %rem3A_254 : i32
    %mul3A_265 = arith.constant 512 : i32
    %mul3A_266 = arith.muli %select_n3A_264, %mul3A_265 : i32
    %mul3A_267 = arith.constant 8 : i32
    %mul3A_268 = arith.muli %select_n3A_248, %mul3A_267 : i32
    "tpu.region"() ({
      %run_scoped3A = tpu.sem_alloc : memref<!tpu.dma_semaphore, #tpu.memory_space<semaphore_mem>>
      %dma_start3A_281 = tpu.memref_slice %arg3[%mul3A_268, %mul3A_266] : memref<32x16384xi32, #tpu.memory_space<hbm>> -> memref<8x512xi32, #tpu.memory_space<hbm>>
      %dma_start3A_282 = tpu.memref_slice %arg3[%mul3A_268, %mul3A_266] : memref<32x16384xi32, #tpu.memory_space<hbm>> -> memref<8x512xi32, #tpu.memory_space<hbm>>
      tpu.enqueue_dma source(%dma_start3A_282 : memref<8x512xi32, #tpu.memory_space<hbm>>) target(%arg5 : memref<8x512xi32, #tpu.memory_space<vmem>>) target_semaphore(%run_scoped3A : memref<!tpu.dma_semaphore, #tpu.memory_space<semaphore_mem>>)
      %dma_wait3A_283 = tpu.memref_slice %arg3[%mul3A_268, %mul3A_266] : memref<32x16384xi32, #tpu.memory_space<hbm>> -> memref<8x512xi32, #tpu.memory_space<hbm>>
      %dma_wait3A_284 = tpu.memref_slice %arg3[%mul3A_268, %mul3A_266] : memref<32x16384xi32, #tpu.memory_space<hbm>> -> memref<8x512xi32, #tpu.memory_space<hbm>>
      tpu.wait_dma2 semaphore(%run_scoped3A : memref<!tpu.dma_semaphore, #tpu.memory_space<semaphore_mem>>) src(%dma_wait3A_284 : memref<8x512xi32, #tpu.memory_space<hbm>>) dst(%arg5 : memref<8x512xi32, #tpu.memory_space<vmem>>)
      tpu.yield
    }) : () -> ()
    %scan3A_269 = arith.constant 0 : i32
    %scan3A_270 = arith.constant 256 : i32
    %scan3A_271 = arith.addi %scan3A_269, %scan3A_270 : i32
    %scan3A_272 = arith.constant 1 : i32
    %scan3A_273 = scf.for %scan3A_281 = %scan3A_269 to %scan3A_271 step %scan3A_272 iter_args(%scan3A_282 = %select_n3A_43) -> (vector<16xi32>)  : i32 {
      %gather3A = tpu.vector_load_idx %arg5[%select_n3A_15, %scan3A_282] : memref<8x512xi32, #tpu.memory_space<vmem>>[vector<16xi32>, vector<16xi32>], vector<16xi32>,
      %mul3A_283 = arith.constant 8 : i32
      %mul3A_284 = vector.broadcast %mul3A_283 : i32 to vector<16xi32>
      %mul3A_285 = arith.muli %gather3A, %mul3A_284 : vector<16xi32>
      %add3A_286 = arith.addi %mul3A_285, %select_n3A_15 : vector<16xi32>
      %mul3A_287 = arith.constant 16 : i32
      %mul3A_288 = arith.muli %scan3A_281, %mul3A_287 : i32
      %swap3A = arith.index_cast %mul3A_288 : i32 to index
      %swap3A_289 = tpu.vector_load %arg6[%swap3A] {strides = array<i32>} : memref<4096xi32, #tpu.memory_space<vmem>>, vector<16xi32>,
      tpu.vector_store %arg6[%swap3A], %add3A_286 {strides = array<i32>} : memref<4096xi32, #tpu.memory_space<vmem>>, vector<16xi32>,
      %add3A_290 = arith.constant 2 : i32
      %add3A_291 = vector.broadcast %add3A_290 : i32 to vector<16xi32>
      %add3A_292 = arith.addi %scan3A_282, %add3A_291 : vector<16xi32>
      scf.yield %add3A_292 : vector<16xi32>
    }
    %scan3A_274 = arith.constant 256 : i32
    %dma_start3A_275 = arith.constant 0 : i32
    %dma_start3A_276 = arith.constant 0 : i32
    %dma_start3A_277 = tpu.memref_slice %arg2[%dma_start3A_275, %dma_start3A_276] : memref<3211264x16xf32, #tpu.memory_space<hbm>> -> memref<3211264x16xf32, #tpu.memory_space<hbm>>
    tpu.enqueue_indirect_dma source(%dma_start3A_277 : memref<3211264x16xf32, #tpu.memory_space<hbm>>) target(%arg7 : memref<4096x16xf32, #tpu.memory_space<vmem>>) offsets(%arg6 : memref<4096xi32, #tpu.memory_space<vmem>>) semaphore(%arg8 : memref<!tpu.dma_semaphore, #tpu.memory_space<semaphore_mem>>)
    %dma_wait3A_278 = arith.constant 0 : i32
    %dma_wait3A_279 = arith.constant 0 : i32
    %dma_wait3A_280 = tpu.memref_slice %arg2[%dma_wait3A_278, %dma_wait3A_279] : memref<3211264x16xf32, #tpu.memory_space<hbm>> -> memref<3211264x16xf32, #tpu.memory_space<hbm>>
    tpu.wait_indirect_dma semaphore(%arg8 : memref<!tpu.dma_semaphore, #tpu.memory_space<semaphore_mem>>) src(%dma_wait3A_280 : memref<3211264x16xf32, #tpu.memory_space<hbm>>) dst(%arg7 : memref<4096x16xf32, #tpu.memory_space<vmem>>)
    "tpu.region"() ({
      %run_scoped3A = tpu.sem_alloc : memref<!tpu.dma_semaphore, #tpu.memory_space<semaphore_mem>>
      %dma_start3A_281 = arith.constant 0 : i32
      %dma_start3A_282 = arith.constant 0 : i32
      %dma_start3A_283 = tpu.memref_slice %arg4[%add3A_224, %dma_start3A_281, %dma_start3A_282] : memref<128x4096x16xf32, #tpu.memory_space<hbm>> -> memref<1x4096x16xf32, #tpu.memory_space<hbm>>
      %dma_start3A_284 = tpu.memref_squeeze %dma_start3A_283 : memref<1x4096x16xf32, #tpu.memory_space<hbm>> -> memref<4096x16xf32, #tpu.memory_space<hbm>>
      %dma_start3A_285 = arith.constant 0 : i32
      %dma_start3A_286 = arith.constant 0 : i32
      %dma_start3A_287 = tpu.memref_slice %arg4[%add3A_224, %dma_start3A_285, %dma_start3A_286] : memref<128x4096x16xf32, #tpu.memory_space<hbm>> -> memref<1x4096x16xf32, #tpu.memory_space<hbm>>
      %dma_start3A_288 = tpu.memref_squeeze %dma_start3A_287 : memref<1x4096x16xf32, #tpu.memory_space<hbm>> -> memref<4096x16xf32, #tpu.memory_space<hbm>>
      tpu.enqueue_dma source(%arg7 : memref<4096x16xf32, #tpu.memory_space<vmem>>) target(%dma_start3A_288 : memref<4096x16xf32, #tpu.memory_space<hbm>>) target_semaphore(%run_scoped3A : memref<!tpu.dma_semaphore, #tpu.memory_space<semaphore_mem>>)
      %dma_wait3A_289 = arith.constant 0 : i32
      %dma_wait3A_290 = arith.constant 0 : i32
      %dma_wait3A_291 = tpu.memref_slice %arg4[%add3A_224, %dma_wait3A_289, %dma_wait3A_290] : memref<128x4096x16xf32, #tpu.memory_space<hbm>> -> memref<1x4096x16xf32, #tpu.memory_space<hbm>>
      %dma_wait3A_292 = tpu.memref_squeeze %dma_wait3A_291 : memref<1x4096x16xf32, #tpu.memory_space<hbm>> -> memref<4096x16xf32, #tpu.memory_space<hbm>>
      %dma_wait3A_293 = arith.constant 0 : i32
      %dma_wait3A_294 = arith.constant 0 : i32
      %dma_wait3A_295 = tpu.memref_slice %arg4[%add3A_224, %dma_wait3A_293, %dma_wait3A_294] : memref<128x4096x16xf32, #tpu.memory_space<hbm>> -> memref<1x4096x16xf32, #tpu.memory_space<hbm>>
      %dma_wait3A_296 = tpu.memref_squeeze %dma_wait3A_295 : memref<1x4096x16xf32, #tpu.memory_space<hbm>> -> memref<4096x16xf32, #tpu.memory_space<hbm>>
      tpu.wait_dma2 semaphore(%run_scoped3A : memref<!tpu.dma_semaphore, #tpu.memory_space<semaphore_mem>>) src(%arg7 : memref<4096x16xf32, #tpu.memory_space<vmem>>) dst(%dma_wait3A_296 : memref<4096x16xf32, #tpu.memory_space<hbm>>)
      tpu.yield
    }) : () -> ()
    return
  }
}

module attributes {stable_mosaic.version = 14 : i64} {
  func.func @_repack_body(%arg0: i32, %arg1: i32, %arg2: memref<128x12544xf32, #tpu.memory_space<vmem>>, %arg3: memref<12544x128xf32, #tpu.memory_space<vmem>>) attributes {dimension_semantics = [#tpu.dimension_semantics<arbitrary>, #tpu.dimension_semantics<arbitrary>], iteration_bounds = array<i64: 4, 8>, scalar_prefetch = 0 : i64, scratch_operands = 0 : i64, tpu.core_type = #tpu.core_type<tc>, window_params = [{transform_indices = @transform_0, window_bounds = array<i64: 128, 12544>}, {transform_indices = @transform_1, window_bounds = array<i64: 12544, 128>}]} {
    %get3A = arith.constant 0 : index
    %get3A_0 = arith.constant 0 : index
    %get3A_1 = vector.load %arg2[%get3A, %get3A_0] : memref<128x12544xf32, #tpu.memory_space<vmem>>, vector<128x12544xf32>
    %transpose3A = tpu.transpose %get3A_1, [1, 0] : vector<128x12544xf32> -> vector<12544x128xf32>
    %swap3A = arith.constant 0 : index
    %swap3A_2 = arith.constant 0 : index
    %swap3A_3 = vector.load %arg3[%swap3A, %swap3A_2] : memref<12544x128xf32, #tpu.memory_space<vmem>>, vector<12544x128xf32>
    tpu.vector_store %arg3[%swap3A, %swap3A_2], %transpose3A {strides = array<i32>} : memref<12544x128xf32, #tpu.memory_space<vmem>>, vector<12544x128xf32>,
    return
  }
  func.func @transform_0(%arg0: i32, %arg1: i32) -> (i32, i32) {
    %c0_i32 = arith.constant 0 : i32
    return %arg0, %arg1 : i32, i32
  }
  func.func @transform_1(%arg0: i32, %arg1: i32) -> (i32, i32) {
    %mul3A = arith.constant 8 : i32
    %mul3A_0 = arith.muli %arg0, %mul3A : i32
    %add3A = arith.addi %mul3A_0, %arg1 : i32
    %c0_i32 = arith.constant 0 : i32
    %c0_i32_1 = arith.constant 0 : i32
    return %add3A, %c0_i32 : i32, i32
  }
}

module attributes {stable_mosaic.version = 14 : i64} {
  func.func @_ctx_router_body(%arg0: i32, %arg1: memref<4x512x128xf32, #tpu.memory_space<vmem>>, %arg2: memref<512x26xf32, #tpu.memory_space<vmem>>, %arg3: memref<512x64xf32, #tpu.memory_space<vmem>>, %arg4: memref<1x64xf32, #tpu.memory_space<vmem>>, %arg5: memref<26x64xf32, #tpu.memory_space<vmem>>, %arg6: memref<1x64xf32, #tpu.memory_space<vmem>>, %arg7: memref<128x8xf32, #tpu.memory_space<vmem>>, %arg8: memref<512x128xf32, #tpu.memory_space<vmem>>, %arg9: memref<512x2xf32, #tpu.memory_space<vmem>>, %arg10: memref<512x2xi32, #tpu.memory_space<vmem>>, %arg11: memref<1x1x8xf32, #tpu.memory_space<vmem>>, %arg12: memref<1x1x8xf32, #tpu.memory_space<vmem>>, %arg13: memref<1x1x8xf32, #tpu.memory_space<vmem>>) attributes {dimension_semantics = [#tpu.dimension_semantics<arbitrary>], iteration_bounds = array<i64: 32>, scalar_prefetch = 0 : i64, scratch_operands = 0 : i64, tpu.core_type = #tpu.core_type<tc>, window_params = [{transform_indices = @transform_0, window_bounds = array<i64: 4, 512, 128>}, {transform_indices = @transform_1, window_bounds = array<i64: 512, 26>}, {pipeline_mode = #tpu.pipeline_mode<synchronous>, transform_indices = @transform_2, window_bounds = array<i64: 512, 64>}, {pipeline_mode = #tpu.pipeline_mode<synchronous>, transform_indices = @transform_3, window_bounds = array<i64: 1, 64>}, {pipeline_mode = #tpu.pipeline_mode<synchronous>, transform_indices = @transform_4, window_bounds = array<i64: 26, 64>}, {pipeline_mode = #tpu.pipeline_mode<synchronous>, transform_indices = @transform_5, window_bounds = array<i64: 1, 64>}, {pipeline_mode = #tpu.pipeline_mode<synchronous>, transform_indices = @transform_6, window_bounds = array<i64: 128, 8>}, {transform_indices = @transform_7, window_bounds = array<i64: 512, 128>}, {transform_indices = @transform_8, window_bounds = array<i64: 512, 2>}, {transform_indices = @transform_9, window_bounds = array<i64: 512, 2>}, {transform_indices = @transform_10, window_bounds = array<i64: 1, 1, 8>}, {transform_indices = @transform_11, window_bounds = array<i64: 1, 1, 8>}, {transform_indices = @transform_12, window_bounds = array<i64: 1, 1, 8>}]} {
    %get3A = arith.constant 0 : index
    %get3A_0 = arith.constant 0 : index
    %get3A_1 = arith.constant 0 : index
    %get3A_2 = vector.load %arg1[%get3A, %get3A_0, %get3A_1] : memref<4x512x128xf32, #tpu.memory_space<vmem>>, vector<1x512x128xf32>
    %get3A_3 = vector.shape_cast %get3A_2 : vector<1x512x128xf32> to vector<512x128xf32>
    %get3A_4 = arith.constant 1 : index
    %get3A_5 = arith.constant 0 : index
    %get3A_6 = arith.constant 0 : index
    %get3A_7 = vector.load %arg1[%get3A_4, %get3A_5, %get3A_6] : memref<4x512x128xf32, #tpu.memory_space<vmem>>, vector<1x512x128xf32>
    %get3A_8 = vector.shape_cast %get3A_7 : vector<1x512x128xf32> to vector<512x128xf32>
    %get3A_9 = arith.constant 2 : index
    %get3A_10 = arith.constant 0 : index
    %get3A_11 = arith.constant 0 : index
    %get3A_12 = vector.load %arg1[%get3A_9, %get3A_10, %get3A_11] : memref<4x512x128xf32, #tpu.memory_space<vmem>>, vector<1x512x128xf32>
    %get3A_13 = vector.shape_cast %get3A_12 : vector<1x512x128xf32> to vector<512x128xf32>
    %get3A_14 = arith.constant 3 : index
    %get3A_15 = arith.constant 0 : index
    %get3A_16 = arith.constant 0 : index
    %get3A_17 = vector.load %arg1[%get3A_14, %get3A_15, %get3A_16] : memref<4x512x128xf32, #tpu.memory_space<vmem>>, vector<1x512x128xf32>
    %get3A_18 = vector.shape_cast %get3A_17 : vector<1x512x128xf32> to vector<512x128xf32>
    %concatenate3A = tpu.concatenate %get3A_3, %get3A_8, %get3A_13, %get3A_18 in 1 : vector<512x128xf32>, vector<512x128xf32>, vector<512x128xf32>, vector<512x128xf32> -> vector<512x512xf32>
    %get3A_19 = arith.constant 0 : index
    %get3A_20 = arith.constant 0 : index
    %get3A_21 = vector.load %arg3[%get3A_19, %get3A_20] : memref<512x64xf32, #tpu.memory_space<vmem>>, vector<512x64xf32>
    %dot_general3A = arith.constant dense<0.000000e+00> : vector<512x64xf32>
    %dot_general3A_22 = tpu.matmul %concatenate3A, %get3A_21, %dot_general3A {dimension_numbers = #tpu.dot_dimension_numbers<[1], [0], [0], [1], [0, 0, 1, 1], [], []>, transpose_lhs_hint = false} : vector<512x512xf32>, vector<512x64xf32>, vector<512x64xf32> -> vector<512x64xf32>
    %get3A_23 = arith.constant 0 : index
    %get3A_24 = arith.constant 0 : index
    %get3A_25 = vector.load %arg4[%get3A_23, %get3A_24] : memref<1x64xf32, #tpu.memory_space<vmem>>, vector<1x64xf32>
    %add3A = vector.broadcast %get3A_25 : vector<1x64xf32> to vector<512x64xf32>
    %add3A_26 = arith.addf %dot_general3A_22, %add3A : vector<512x64xf32>
    %ge3A = arith.constant 0.000000e+00 : f32
    %ge3A_27 = vector.broadcast %ge3A : f32 to vector<512x64xf32>
    %ge3A_28 = arith.cmpf oge, %add3A_26, %ge3A_27 : vector<512x64xf32>
    %mul3A = arith.constant 2.000000e-01 : f32
    %mul3A_29 = vector.broadcast %mul3A : f32 to vector<512x64xf32>
    %mul3A_30 = arith.mulf %mul3A_29, %add3A_26 : vector<512x64xf32>
    %select_n3A = arith.select %ge3A_28, %add3A_26, %mul3A_30 : vector<512x64xi1>, vector<512x64xf32>
    %get3A_31 = arith.constant 0 : index
    %get3A_32 = arith.constant 0 : index
    %get3A_33 = vector.load %arg2[%get3A_31, %get3A_32] : memref<512x26xf32, #tpu.memory_space<vmem>>, vector<512x26xf32>
    %get3A_34 = arith.constant 0 : index
    %get3A_35 = arith.constant 0 : index
    %get3A_36 = vector.load %arg5[%get3A_34, %get3A_35] : memref<26x64xf32, #tpu.memory_space<vmem>>, vector<26x64xf32>
    %dot_general3A_37 = arith.constant dense<0.000000e+00> : vector<512x64xf32>
    %dot_general3A_38 = tpu.matmul %get3A_33, %get3A_36, %dot_general3A_37 {dimension_numbers = #tpu.dot_dimension_numbers<[1], [0], [0], [1], [0, 0, 1, 1], [], []>, transpose_lhs_hint = false} : vector<512x26xf32>, vector<26x64xf32>, vector<512x64xf32> -> vector<512x64xf32>
    %get3A_39 = arith.constant 0 : index
    %get3A_40 = arith.constant 0 : index
    %get3A_41 = vector.load %arg6[%get3A_39, %get3A_40] : memref<1x64xf32, #tpu.memory_space<vmem>>, vector<1x64xf32>
    %add3A_42 = vector.broadcast %get3A_41 : vector<1x64xf32> to vector<512x64xf32>
    %add3A_43 = arith.addf %dot_general3A_38, %add3A_42 : vector<512x64xf32>
    %ge3A_44 = arith.constant 0.000000e+00 : f32
    %ge3A_45 = vector.broadcast %ge3A_44 : f32 to vector<512x64xf32>
    %ge3A_46 = arith.cmpf oge, %add3A_43, %ge3A_45 : vector<512x64xf32>
    %mul3A_47 = arith.constant 2.000000e-01 : f32
    %mul3A_48 = vector.broadcast %mul3A_47 : f32 to vector<512x64xf32>
    %mul3A_49 = arith.mulf %mul3A_48, %add3A_43 : vector<512x64xf32>
    %select_n3A_50 = arith.select %ge3A_46, %add3A_43, %mul3A_49 : vector<512x64xi1>, vector<512x64xf32>
    %concatenate3A_51 = tpu.concatenate %select_n3A, %select_n3A_50 in 1 : vector<512x64xf32>, vector<512x64xf32> -> vector<512x128xf32>
    %swap3A = arith.constant 0 : index
    %swap3A_52 = arith.constant 0 : index
    %swap3A_53 = vector.load %arg8[%swap3A, %swap3A_52] : memref<512x128xf32, #tpu.memory_space<vmem>>, vector<512x128xf32>
    tpu.vector_store %arg8[%swap3A, %swap3A_52], %concatenate3A_51 {strides = array<i32>} : memref<512x128xf32, #tpu.memory_space<vmem>>, vector<512x128xf32>,
    %get3A_54 = arith.constant 0 : index
    %get3A_55 = arith.constant 0 : index
    %get3A_56 = vector.load %arg7[%get3A_54, %get3A_55] : memref<128x8xf32, #tpu.memory_space<vmem>>, vector<128x8xf32>
    %dot_general3A_57 = arith.constant dense<0.000000e+00> : vector<512x8xf32>
    %dot_general3A_58 = tpu.matmul %concatenate3A_51, %get3A_56, %dot_general3A_57 {dimension_numbers = #tpu.dot_dimension_numbers<[1], [0], [0], [1], [0, 0, 1, 1], [], []>, transpose_lhs_hint = false} : vector<512x128xf32>, vector<128x8xf32>, vector<512x8xf32> -> vector<512x8xf32>
    %reduce_max3A = arith.constant dense<0xFF800000> : vector<512xf32>
    %reduce_max3A_59 = vector.multi_reduction <maximumf>, %dot_general3A_58, %reduce_max3A [1] : vector<512x8xf32> to vector<512xf32>
    %broadcast_in_dim3A = vector.shape_cast %reduce_max3A_59 : vector<512xf32> to vector<512x1xf32>
    %sub3A = vector.broadcast %broadcast_in_dim3A : vector<512x1xf32> to vector<512x8xf32>
    %sub3A_60 = arith.subf %dot_general3A_58, %sub3A : vector<512x8xf32>
    %exp3A = math.exp %sub3A_60 : vector<512x8xf32>
    %reduce_sum3A = arith.constant dense<0.000000e+00> : vector<512xf32>
    %reduce_sum3A_61 = vector.multi_reduction <add>, %exp3A, %reduce_sum3A [1] : vector<512x8xf32> to vector<512xf32>
    %broadcast_in_dim3A_62 = vector.shape_cast %reduce_sum3A_61 : vector<512xf32> to vector<512x1xf32>
    %div3A = vector.broadcast %broadcast_in_dim3A_62 : vector<512x1xf32> to vector<512x8xf32>
    %div3A_63 = arith.divf %exp3A, %div3A : vector<512x8xf32>
    %iota3A = tpu.iota {dimensions = array<i32: 1>} : vector<512x8xi32>
    %reduce_max3A_64 = arith.constant dense<0xFF800000> : vector<512xf32>
    %reduce_max3A_65 = vector.multi_reduction <maximumf>, %div3A_63, %reduce_max3A_64 [1] : vector<512x8xf32> to vector<512xf32>
    %broadcast_in_dim3A_66 = vector.shape_cast %reduce_max3A_65 : vector<512xf32> to vector<512x1xf32>
    %eq3A = vector.broadcast %broadcast_in_dim3A_66 : vector<512x1xf32> to vector<512x8xf32>
    %eq3A_67 = arith.cmpf oeq, %div3A_63, %eq3A : vector<512x8xf32>
    %jit3A = arith.constant 8 : i32
    %broadcast_in_dim3A_68 = vector.broadcast %jit3A : i32 to vector<512x8xi32>
    %select_n3A_69 = arith.select %eq3A_67, %iota3A, %broadcast_in_dim3A_68 : vector<512x8xi1>, vector<512x8xi32>
    %reduce_min3A = arith.constant dense<2147483647> : vector<512xi32>
    %reduce_min3A_70 = vector.multi_reduction <minsi>, %select_n3A_69, %reduce_min3A [1] : vector<512x8xi32> to vector<512xi32>
    %broadcast_in_dim3A_71 = vector.shape_cast %reduce_min3A_70 : vector<512xi32> to vector<512x1xi32>
    %eq3A_72 = vector.broadcast %broadcast_in_dim3A_71 : vector<512x1xi32> to vector<512x8xi32>
    %eq3A_73 = arith.cmpi eq, %iota3A, %eq3A_72 : vector<512x8xi32>
    %jit3A_74 = arith.constant -1.000000e+00 : f32
    %broadcast_in_dim3A_75 = vector.broadcast %jit3A_74 : f32 to vector<512x8xf32>
    %select_n3A_76 = arith.select %eq3A_73, %broadcast_in_dim3A_75, %div3A_63 : vector<512x8xi1>, vector<512x8xf32>
    %reduce_max3A_77 = arith.constant dense<0xFF800000> : vector<512xf32>
    %reduce_max3A_78 = vector.multi_reduction <maximumf>, %select_n3A_76, %reduce_max3A_77 [1] : vector<512x8xf32> to vector<512xf32>
    %broadcast_in_dim3A_79 = vector.shape_cast %reduce_max3A_78 : vector<512xf32> to vector<512x1xf32>
    %eq3A_80 = vector.broadcast %broadcast_in_dim3A_79 : vector<512x1xf32> to vector<512x8xf32>
    %eq3A_81 = arith.cmpf oeq, %select_n3A_76, %eq3A_80 : vector<512x8xf32>
    %jit3A_82 = arith.constant 8 : i32
    %broadcast_in_dim3A_83 = vector.broadcast %jit3A_82 : i32 to vector<512x8xi32>
    %select_n3A_84 = arith.select %eq3A_81, %iota3A, %broadcast_in_dim3A_83 : vector<512x8xi1>, vector<512x8xi32>
    %reduce_min3A_85 = arith.constant dense<2147483647> : vector<512xi32>
    %reduce_min3A_86 = vector.multi_reduction <minsi>, %select_n3A_84, %reduce_min3A_85 [1] : vector<512x8xi32> to vector<512xi32>
    %broadcast_in_dim3A_87 = vector.shape_cast %reduce_min3A_86 : vector<512xi32> to vector<512x1xi32>
    %concatenate3A_88 = tpu.concatenate %broadcast_in_dim3A_66, %broadcast_in_dim3A_79 in 1 : vector<512x1xf32>, vector<512x1xf32> -> vector<512x2xf32>
    %swap3A_89 = arith.constant 0 : index
    %swap3A_90 = arith.constant 0 : index
    %swap3A_91 = vector.load %arg9[%swap3A_89, %swap3A_90] : memref<512x2xf32, #tpu.memory_space<vmem>>, vector<512x2xf32>
    tpu.vector_store %arg9[%swap3A_89, %swap3A_90], %concatenate3A_88 {strides = array<i32>} : memref<512x2xf32, #tpu.memory_space<vmem>>, vector<512x2xf32>,
    %concatenate3A_92 = tpu.concatenate %broadcast_in_dim3A_71, %broadcast_in_dim3A_87 in 1 : vector<512x1xi32>, vector<512x1xi32> -> vector<512x2xi32>
    %swap3A_93 = arith.constant 0 : index
    %swap3A_94 = arith.constant 0 : index
    %swap3A_95 = vector.load %arg10[%swap3A_93, %swap3A_94] : memref<512x2xi32, #tpu.memory_space<vmem>>, vector<512x2xi32>
    tpu.vector_store %arg10[%swap3A_93, %swap3A_94], %concatenate3A_92 {strides = array<i32>} : memref<512x2xi32, #tpu.memory_space<vmem>>, vector<512x2xi32>,
    %eq3A_96 = vector.broadcast %broadcast_in_dim3A_71 : vector<512x1xi32> to vector<512x8xi32>
    %eq3A_97 = arith.cmpi eq, %iota3A, %eq3A_96 : vector<512x8xi32>
    %convert_element_type3A = arith.extui %eq3A_97 : vector<512x8xi1> to vector<512x8xi32>
    %convert_element_type3A_98 = arith.sitofp %convert_element_type3A : vector<512x8xi32> to vector<512x8xf32>
    %eq3A_99 = vector.broadcast %broadcast_in_dim3A_87 : vector<512x1xi32> to vector<512x8xi32>
    %eq3A_100 = arith.cmpi eq, %iota3A, %eq3A_99 : vector<512x8xi32>
    %convert_element_type3A_101 = arith.extui %eq3A_100 : vector<512x8xi1> to vector<512x8xi32>
    %convert_element_type3A_102 = arith.sitofp %convert_element_type3A_101 : vector<512x8xi32> to vector<512x8xf32>
    %reduce_sum3A_103 = arith.constant dense<0.000000e+00> : vector<8xf32>
    %reduce_sum3A_104 = vector.multi_reduction <add>, %convert_element_type3A_98, %reduce_sum3A_103 [0] : vector<512x8xf32> to vector<8xf32>
    %reshape3A = vector.shape_cast %reduce_sum3A_104 : vector<8xf32> to vector<1x1x8xf32>
    %swap3A_105 = arith.constant 0 : index
    %swap3A_106 = arith.constant 0 : index
    %swap3A_107 = arith.constant 0 : index
    %swap3A_108 = vector.load %arg11[%swap3A_105, %swap3A_106, %swap3A_107] : memref<1x1x8xf32, #tpu.memory_space<vmem>>, vector<1x1x8xf32>
    tpu.vector_store %arg11[%swap3A_105, %swap3A_106, %swap3A_107], %reshape3A {strides = array<i32>} : memref<1x1x8xf32, #tpu.memory_space<vmem>>, vector<1x1x8xf32>,
    %reduce_sum3A_109 = arith.constant dense<0.000000e+00> : vector<8xf32>
    %reduce_sum3A_110 = vector.multi_reduction <add>, %convert_element_type3A_102, %reduce_sum3A_109 [0] : vector<512x8xf32> to vector<8xf32>
    %reshape3A_111 = vector.shape_cast %reduce_sum3A_110 : vector<8xf32> to vector<1x1x8xf32>
    %swap3A_112 = arith.constant 0 : index
    %swap3A_113 = arith.constant 0 : index
    %swap3A_114 = arith.constant 0 : index
    %swap3A_115 = vector.load %arg12[%swap3A_112, %swap3A_113, %swap3A_114] : memref<1x1x8xf32, #tpu.memory_space<vmem>>, vector<1x1x8xf32>
    tpu.vector_store %arg12[%swap3A_112, %swap3A_113, %swap3A_114], %reshape3A_111 {strides = array<i32>} : memref<1x1x8xf32, #tpu.memory_space<vmem>>, vector<1x1x8xf32>,
    %reduce_sum3A_116 = arith.constant dense<0.000000e+00> : vector<8xf32>
    %reduce_sum3A_117 = vector.multi_reduction <add>, %div3A_63, %reduce_sum3A_116 [0] : vector<512x8xf32> to vector<8xf32>
    %reshape3A_118 = vector.shape_cast %reduce_sum3A_117 : vector<8xf32> to vector<1x1x8xf32>
    %swap3A_119 = arith.constant 0 : index
    %swap3A_120 = arith.constant 0 : index
    %swap3A_121 = arith.constant 0 : index
    %swap3A_122 = vector.load %arg13[%swap3A_119, %swap3A_120, %swap3A_121] : memref<1x1x8xf32, #tpu.memory_space<vmem>>, vector<1x1x8xf32>
    tpu.vector_store %arg13[%swap3A_119, %swap3A_120, %swap3A_121], %reshape3A_118 {strides = array<i32>} : memref<1x1x8xf32, #tpu.memory_space<vmem>>, vector<1x1x8xf32>,
    return
  }
  func.func @transform_0(%arg0: i32) -> (i32, i32, i32) {
    %c0_i32 = arith.constant 0 : i32
    %c0_i32_0 = arith.constant 0 : i32
    %c0_i32_1 = arith.constant 0 : i32
    return %c0_i32, %arg0, %c0_i32_0 : i32, i32, i32
  }
  func.func @transform_1(%arg0: i32) -> (i32, i32) {
    %c0_i32 = arith.constant 0 : i32
    %c0_i32_0 = arith.constant 0 : i32
    return %arg0, %c0_i32 : i32, i32
  }
  func.func @transform_2(%arg0: i32) -> (i32, i32) {
    %c0_i32 = arith.constant 0 : i32
    %c0_i32_0 = arith.constant 0 : i32
    %c0_i32_1 = arith.constant 0 : i32
    return %c0_i32, %c0_i32_0 : i32, i32
  }
  func.func @transform_3(%arg0: i32) -> (i32, i32) {
    %c0_i32 = arith.constant 0 : i32
    %c0_i32_0 = arith.constant 0 : i32
    %c0_i32_1 = arith.constant 0 : i32
    return %c0_i32, %c0_i32_0 : i32, i32
  }
  func.func @transform_4(%arg0: i32) -> (i32, i32) {
    %c0_i32 = arith.constant 0 : i32
    %c0_i32_0 = arith.constant 0 : i32
    %c0_i32_1 = arith.constant 0 : i32
    return %c0_i32, %c0_i32_0 : i32, i32
  }
  func.func @transform_5(%arg0: i32) -> (i32, i32) {
    %c0_i32 = arith.constant 0 : i32
    %c0_i32_0 = arith.constant 0 : i32
    %c0_i32_1 = arith.constant 0 : i32
    return %c0_i32, %c0_i32_0 : i32, i32
  }
  func.func @transform_6(%arg0: i32) -> (i32, i32) {
    %c0_i32 = arith.constant 0 : i32
    %c0_i32_0 = arith.constant 0 : i32
    %c0_i32_1 = arith.constant 0 : i32
    return %c0_i32, %c0_i32_0 : i32, i32
  }
  func.func @transform_7(%arg0: i32) -> (i32, i32) {
    %c0_i32 = arith.constant 0 : i32
    %c0_i32_0 = arith.constant 0 : i32
    return %arg0, %c0_i32 : i32, i32
  }
  func.func @transform_8(%arg0: i32) -> (i32, i32) {
    %c0_i32 = arith.constant 0 : i32
    %c0_i32_0 = arith.constant 0 : i32
    return %arg0, %c0_i32 : i32, i32
  }
  func.func @transform_9(%arg0: i32) -> (i32, i32) {
    %c0_i32 = arith.constant 0 : i32
    %c0_i32_0 = arith.constant 0 : i32
    return %arg0, %c0_i32 : i32, i32
  }
  func.func @transform_10(%arg0: i32) -> (i32, i32, i32) {
    %c0_i32 = arith.constant 0 : i32
    %c0_i32_0 = arith.constant 0 : i32
    %c0_i32_1 = arith.constant 0 : i32
    return %arg0, %c0_i32, %c0_i32_0 : i32, i32, i32
  }
  func.func @transform_11(%arg0: i32) -> (i32, i32, i32) {
    %c0_i32 = arith.constant 0 : i32
    %c0_i32_0 = arith.constant 0 : i32
    %c0_i32_1 = arith.constant 0 : i32
    return %arg0, %c0_i32, %c0_i32_0 : i32, i32, i32
  }
  func.func @transform_12(%arg0: i32) -> (i32, i32, i32) {
    %c0_i32 = arith.constant 0 : i32
    %c0_i32_0 = arith.constant 0 : i32
    %c0_i32_1 = arith.constant 0 : i32
    return %arg0, %c0_i32, %c0_i32_0 : i32, i32, i32
  }
}

module attributes {stable_mosaic.version = 14 : i64} {
  func.func @_moe_head_body(%arg0: i32, %arg1: memref<512x128xf32, #tpu.memory_space<vmem>>, %arg2: memref<512x2xf32, #tpu.memory_space<vmem>>, %arg3: memref<512x2xi32, #tpu.memory_space<vmem>>, %arg4: memref<32x1x8xf32, #tpu.memory_space<vmem>>, %arg5: memref<32x1x8xf32, #tpu.memory_space<vmem>>, %arg6: memref<32x1x8xf32, #tpu.memory_space<vmem>>, %arg7: memref<128x1024xf32, #tpu.memory_space<vmem>>, %arg8: memref<1x1024xf32, #tpu.memory_space<vmem>>, %arg9: memref<1024x128xf32, #tpu.memory_space<vmem>>, %arg10: memref<8x128xf32, #tpu.memory_space<vmem>>, %arg11: memref<128x384xf32, #tpu.memory_space<vmem>>, %arg12: memref<1x384xf32, #tpu.memory_space<vmem>>, %arg13: memref<384x128xf32, #tpu.memory_space<vmem>>, %arg14: memref<1x128xf32, #tpu.memory_space<vmem>>, %arg15: memref<1x128xf32, #tpu.memory_space<vmem>>, %arg16: memref<1x1xf32, #tpu.memory_space<vmem>>, %arg17: memref<512x1xf32, #tpu.memory_space<vmem>>, %arg18: memref<1x1xf32, #tpu.memory_space<vmem>>) attributes {dimension_semantics = [#tpu.dimension_semantics<arbitrary>], iteration_bounds = array<i64: 32>, scalar_prefetch = 0 : i64, scratch_operands = 0 : i64, tpu.core_type = #tpu.core_type<tc>, window_params = [{transform_indices = @transform_0, window_bounds = array<i64: 512, 128>}, {transform_indices = @transform_1, window_bounds = array<i64: 512, 2>}, {transform_indices = @transform_2, window_bounds = array<i64: 512, 2>}, {pipeline_mode = #tpu.pipeline_mode<synchronous>, transform_indices = @transform_3, window_bounds = array<i64: 32, 1, 8>}, {pipeline_mode = #tpu.pipeline_mode<synchronous>, transform_indices = @transform_4, window_bounds = array<i64: 32, 1, 8>}, {pipeline_mode = #tpu.pipeline_mode<synchronous>, transform_indices = @transform_5, window_bounds = array<i64: 32, 1, 8>}, {pipeline_mode = #tpu.pipeline_mode<synchronous>, transform_indices = @transform_6, window_bounds = array<i64: 128, 1024>}, {pipeline_mode = #tpu.pipeline_mode<synchronous>, transform_indices = @transform_7, window_bounds = array<i64: 1, 1024>}, {pipeline_mode = #tpu.pipeline_mode<synchronous>, transform_indices = @transform_8, window_bounds = array<i64: 1024, 128>}, {pipeline_mode = #tpu.pipeline_mode<synchronous>, transform_indices = @transform_9, window_bounds = array<i64: 8, 128>}, {pipeline_mode = #tpu.pipeline_mode<synchronous>, transform_indices = @transform_10, window_bounds = array<i64: 128, 384>}, {pipeline_mode = #tpu.pipeline_mode<synchronous>, transform_indices = @transform_11, window_bounds = array<i64: 1, 384>}, {pipeline_mode = #tpu.pipeline_mode<synchronous>, transform_indices = @transform_12, window_bounds = array<i64: 384, 128>}, {pipeline_mode = #tpu.pipeline_mode<synchronous>, transform_indices = @transform_13, window_bounds = array<i64: 1, 128>}, {pipeline_mode = #tpu.pipeline_mode<synchronous>, transform_indices = @transform_14, window_bounds = array<i64: 1, 128>}, {pipeline_mode = #tpu.pipeline_mode<synchronous>, transform_indices = @transform_15, window_bounds = array<i64: 1, 1>}, {transform_indices = @transform_16, window_bounds = array<i64: 512, 1>}, {pipeline_mode = #tpu.pipeline_mode<synchronous>, transform_indices = @transform_17, window_bounds = array<i64: 1, 1>}]} {
    %get3A = arith.constant 0 : index
    %get3A_0 = arith.constant 0 : index
    %get3A_1 = vector.load %arg1[%get3A, %get3A_0] : memref<512x128xf32, #tpu.memory_space<vmem>>, vector<512x128xf32>
    %get3A_2 = arith.constant 0 : index
    %get3A_3 = arith.constant 0 : index
    %get3A_4 = vector.load %arg2[%get3A_2, %get3A_3] : memref<512x2xf32, #tpu.memory_space<vmem>>, vector<512x2xf32>
    %get3A_5 = arith.constant 0 : index
    %get3A_6 = arith.constant 0 : index
    %get3A_7 = vector.load %arg3[%get3A_5, %get3A_6] : memref<512x2xi32, #tpu.memory_space<vmem>>, vector<512x2xi32>
    %iota3A = tpu.iota {dimensions = array<i32: 1>} : vector<512x8xi32>
    %slice3A = vector.extract_strided_slice %get3A_7 {offsets = [0, 0], sizes = [512, 1], strides = [1, 1]} : vector<512x2xi32> to vector<512x1xi32>
    %eq3A = vector.broadcast %slice3A : vector<512x1xi32> to vector<512x8xi32>
    %eq3A_8 = arith.cmpi eq, %iota3A, %eq3A : vector<512x8xi32>
    %convert_element_type3A = arith.extui %eq3A_8 : vector<512x8xi1> to vector<512x8xi32>
    %convert_element_type3A_9 = arith.sitofp %convert_element_type3A : vector<512x8xi32> to vector<512x8xf32>
    %slice3A_10 = vector.extract_strided_slice %get3A_7 {offsets = [0, 1], sizes = [512, 1], strides = [1, 1]} : vector<512x2xi32> to vector<512x1xi32>
    %eq3A_11 = vector.broadcast %slice3A_10 : vector<512x1xi32> to vector<512x8xi32>
    %eq3A_12 = arith.cmpi eq, %iota3A, %eq3A_11 : vector<512x8xi32>
    %convert_element_type3A_13 = arith.extui %eq3A_12 : vector<512x8xi1> to vector<512x8xi32>
    %convert_element_type3A_14 = arith.sitofp %convert_element_type3A_13 : vector<512x8xi32> to vector<512x8xf32>
    %get3A_15 = arith.constant 0 : index
    %get3A_16 = arith.constant 0 : index
    %get3A_17 = arith.constant 0 : index
    %get3A_18 = vector.load %arg4[%get3A_15, %get3A_16, %get3A_17] : memref<32x1x8xf32, #tpu.memory_space<vmem>>, vector<32x1x8xf32>
    %get3A_19 = arith.constant 0 : index
    %get3A_20 = arith.constant 0 : index
    %get3A_21 = arith.constant 0 : index
    %get3A_22 = vector.load %arg5[%get3A_19, %get3A_20, %get3A_21] : memref<32x1x8xf32, #tpu.memory_space<vmem>>, vector<32x1x8xf32>
    %iota3A_23 = tpu.iota {dimensions = array<i32: 0>} : vector<32x1x8xi32>
    %lt3A = vector.broadcast %arg0 : i32 to vector<32x1x8xi32>
    %lt3A_24 = arith.cmpi slt, %iota3A_23, %lt3A : vector<32x1x8xi32>
    %convert_element_type3A_25 = arith.extui %lt3A_24 : vector<32x1x8xi1> to vector<32x1x8xi32>
    %convert_element_type3A_26 = arith.sitofp %convert_element_type3A_25 : vector<32x1x8xi32> to vector<32x1x8xf32>
    %mul3A = arith.mulf %get3A_18, %convert_element_type3A_26 : vector<32x1x8xf32>
    %reduce_sum3A = arith.constant dense<0.000000e+00> : vector<8xf32>
    %reduce_sum3A_27 = vector.multi_reduction <add>, %mul3A, %reduce_sum3A [0, 1] : vector<32x1x8xf32> to vector<8xf32>
    %mul3A_28 = arith.mulf %get3A_22, %convert_element_type3A_26 : vector<32x1x8xf32>
    %reduce_sum3A_29 = arith.constant dense<0.000000e+00> : vector<8xf32>
    %reduce_sum3A_30 = vector.multi_reduction <add>, %mul3A_28, %reduce_sum3A_29 [0, 1] : vector<32x1x8xf32> to vector<8xf32>
    %reduce_sum3A_31 = arith.constant dense<0.000000e+00> : vector<8xf32>
    %reduce_sum3A_32 = vector.multi_reduction <add>, %get3A_18, %reduce_sum3A_31 [0, 1] : vector<32x1x8xf32> to vector<8xf32>
    %reduce_sum3A_33 = arith.constant dense<0.000000e+00> : vector<8xf32>
    %reduce_sum3A_34 = vector.multi_reduction <add>, %get3A_22, %reduce_sum3A_33 [0, 1] : vector<32x1x8xf32> to vector<8xf32>
    %iota3A_35 = tpu.iota {dimensions = array<i32: 0>} : vector<512x512xi32>
    %iota3A_36 = tpu.iota {dimensions = array<i32: 1>} : vector<512x512xi32>
    %lt3A_37 = arith.cmpi slt, %iota3A_36, %iota3A_35 : vector<512x512xi32>
    %convert_element_type3A_38 = arith.extui %lt3A_37 : vector<512x512xi1> to vector<512x512xi32>
    %convert_element_type3A_39 = arith.sitofp %convert_element_type3A_38 : vector<512x512xi32> to vector<512x512xf32>
    %concatenate3A = tpu.concatenate %convert_element_type3A_9, %convert_element_type3A_14 in 1 : vector<512x8xf32>, vector<512x8xf32> -> vector<512x16xf32>
    %dot_general3A = arith.constant dense<0.000000e+00> : vector<512x16xf32>
    %dot_general3A_40 = tpu.matmul %convert_element_type3A_39, %concatenate3A, %dot_general3A {dimension_numbers = #tpu.dot_dimension_numbers<[1], [0], [0], [1], [0, 0, 1, 1], [], []>, transpose_lhs_hint = false} : vector<512x512xf32>, vector<512x16xf32>, vector<512x16xf32> -> vector<512x16xf32>
    %slice3A_41 = vector.extract_strided_slice %dot_general3A_40 {offsets = [0, 0], sizes = [512, 8], strides = [1, 1]} : vector<512x16xf32> to vector<512x8xf32>
    %slice3A_42 = vector.extract_strided_slice %dot_general3A_40 {offsets = [0, 8], sizes = [512, 8], strides = [1, 1]} : vector<512x16xf32> to vector<512x8xf32>
    %broadcast_in_dim3A = vector.shape_cast %reduce_sum3A_27 : vector<8xf32> to vector<1x8xf32>
    %add3A = vector.broadcast %broadcast_in_dim3A : vector<1x8xf32> to vector<512x8xf32>
    %add3A_43 = arith.addf %add3A, %slice3A_41 : vector<512x8xf32>
    %lt3A_44 = arith.constant 4.096000e+03 : f32
    %lt3A_45 = vector.broadcast %lt3A_44 : f32 to vector<512x8xf32>
    %lt3A_46 = arith.cmpf olt, %add3A_43, %lt3A_45 : vector<512x8xf32>
    %convert_element_type3A_47 = arith.extui %lt3A_46 : vector<512x8xi1> to vector<512x8xi32>
    %convert_element_type3A_48 = arith.sitofp %convert_element_type3A_47 : vector<512x8xi32> to vector<512x8xf32>
    %mul3A_49 = arith.mulf %convert_element_type3A_9, %convert_element_type3A_48 : vector<512x8xf32>
    %broadcast_in_dim3A_50 = vector.shape_cast %reduce_sum3A_32 : vector<8xf32> to vector<1x8xf32>
    %broadcast_in_dim3A_51 = vector.shape_cast %reduce_sum3A_30 : vector<8xf32> to vector<1x8xf32>
    %add3A_52 = arith.addf %broadcast_in_dim3A_50, %broadcast_in_dim3A_51 : vector<1x8xf32>
    %add3A_53 = vector.broadcast %add3A_52 : vector<1x8xf32> to vector<512x8xf32>
    %add3A_54 = arith.addf %add3A_53, %slice3A_42 : vector<512x8xf32>
    %lt3A_55 = arith.constant 4.096000e+03 : f32
    %lt3A_56 = vector.broadcast %lt3A_55 : f32 to vector<512x8xf32>
    %lt3A_57 = arith.cmpf olt, %add3A_54, %lt3A_56 : vector<512x8xf32>
    %convert_element_type3A_58 = arith.extui %lt3A_57 : vector<512x8xi1> to vector<512x8xi32>
    %convert_element_type3A_59 = arith.sitofp %convert_element_type3A_58 : vector<512x8xi32> to vector<512x8xf32>
    %mul3A_60 = arith.mulf %convert_element_type3A_14, %convert_element_type3A_59 : vector<512x8xf32>
    %slice3A_61 = vector.extract_strided_slice %get3A_4 {offsets = [0, 0], sizes = [512, 1], strides = [1, 1]} : vector<512x2xf32> to vector<512x1xf32>
    %mul3A_62 = vector.broadcast %slice3A_61 : vector<512x1xf32> to vector<512x8xf32>
    %mul3A_63 = arith.mulf %mul3A_62, %mul3A_49 : vector<512x8xf32>
    %slice3A_64 = vector.extract_strided_slice %get3A_4 {offsets = [0, 1], sizes = [512, 1], strides = [1, 1]} : vector<512x2xf32> to vector<512x1xf32>
    %mul3A_65 = vector.broadcast %slice3A_64 : vector<512x1xf32> to vector<512x8xf32>
    %mul3A_66 = arith.mulf %mul3A_65, %mul3A_60 : vector<512x8xf32>
    %add3A_67 = arith.addf %mul3A_63, %mul3A_66 : vector<512x8xf32>
    %get3A_68 = arith.constant 0 : index
    %get3A_69 = arith.constant 0 : index
    %get3A_70 = vector.load %arg7[%get3A_68, %get3A_69] : memref<128x1024xf32, #tpu.memory_space<vmem>>, vector<128x1024xf32>
    %dot_general3A_71 = arith.constant dense<0.000000e+00> : vector<512x1024xf32>
    %dot_general3A_72 = tpu.matmul %get3A_1, %get3A_70, %dot_general3A_71 {dimension_numbers = #tpu.dot_dimension_numbers<[1], [0], [0], [1], [0, 0, 1, 1], [], []>, transpose_lhs_hint = false} : vector<512x128xf32>, vector<128x1024xf32>, vector<512x1024xf32> -> vector<512x1024xf32>
    %get3A_73 = arith.constant 0 : index
    %get3A_74 = arith.constant 0 : index
    %get3A_75 = vector.load %arg8[%get3A_73, %get3A_74] : memref<1x1024xf32, #tpu.memory_space<vmem>>, vector<1x1024xf32>
    %add3A_76 = vector.broadcast %get3A_75 : vector<1x1024xf32> to vector<512x1024xf32>
    %add3A_77 = arith.addf %dot_general3A_72, %add3A_76 : vector<512x1024xf32>
    %max3A = arith.constant 0.000000e+00 : f32
    %max3A_78 = vector.broadcast %max3A : f32 to vector<512x1024xf32>
    %max3A_79 = arith.maximumf %add3A_77, %max3A_78 : vector<512x1024xf32>
    %broadcast_in_dim3A_80 = vector.shape_cast %add3A_67 : vector<512x8xf32> to vector<512x8x1xf32>
    %broadcast_in_dim3A_81 = vector.broadcast %broadcast_in_dim3A_80 : vector<512x8x1xf32> to vector<512x8x128xf32>
    %reshape3A = vector.shape_cast %broadcast_in_dim3A_81 : vector<512x8x128xf32> to vector<512x1024xf32>
    %mul3A_82 = arith.mulf %max3A_79, %reshape3A : vector<512x1024xf32>
    %get3A_83 = arith.constant 0 : index
    %get3A_84 = arith.constant 0 : index
    %get3A_85 = vector.load %arg9[%get3A_83, %get3A_84] : memref<1024x128xf32, #tpu.memory_space<vmem>>, vector<1024x128xf32>
    %dot_general3A_86 = arith.constant dense<0.000000e+00> : vector<512x128xf32>
    %dot_general3A_87 = tpu.matmul %mul3A_82, %get3A_85, %dot_general3A_86 {dimension_numbers = #tpu.dot_dimension_numbers<[1], [0], [0], [1], [0, 0, 1, 1], [], []>, transpose_lhs_hint = false} : vector<512x1024xf32>, vector<1024x128xf32>, vector<512x128xf32> -> vector<512x128xf32>
    %get3A_88 = arith.constant 0 : index
    %get3A_89 = arith.constant 0 : index
    %get3A_90 = vector.load %arg10[%get3A_88, %get3A_89] : memref<8x128xf32, #tpu.memory_space<vmem>>, vector<8x128xf32>
    %dot_general3A_91 = arith.constant dense<0.000000e+00> : vector<512x128xf32>
    %dot_general3A_92 = tpu.matmul %add3A_67, %get3A_90, %dot_general3A_91 {dimension_numbers = #tpu.dot_dimension_numbers<[1], [0], [0], [1], [0, 0, 1, 1], [], []>, transpose_lhs_hint = false} : vector<512x8xf32>, vector<8x128xf32>, vector<512x128xf32> -> vector<512x128xf32>
    %add3A_93 = arith.addf %dot_general3A_87, %dot_general3A_92 : vector<512x128xf32>
    %get3A_94 = arith.constant 0 : index
    %get3A_95 = arith.constant 0 : index
    %get3A_96 = vector.load %arg11[%get3A_94, %get3A_95] : memref<128x384xf32, #tpu.memory_space<vmem>>, vector<128x384xf32>
    %dot_general3A_97 = arith.constant dense<0.000000e+00> : vector<512x384xf32>
    %dot_general3A_98 = tpu.matmul %add3A_93, %get3A_96, %dot_general3A_97 {dimension_numbers = #tpu.dot_dimension_numbers<[1], [0], [0], [1], [0, 0, 1, 1], [], []>, transpose_lhs_hint = false} : vector<512x128xf32>, vector<128x384xf32>, vector<512x384xf32> -> vector<512x384xf32>
    %get3A_99 = arith.constant 0 : index
    %get3A_100 = arith.constant 0 : index
    %get3A_101 = vector.load %arg12[%get3A_99, %get3A_100] : memref<1x384xf32, #tpu.memory_space<vmem>>, vector<1x384xf32>
    %add3A_102 = vector.broadcast %get3A_101 : vector<1x384xf32> to vector<512x384xf32>
    %add3A_103 = arith.addf %dot_general3A_98, %add3A_102 : vector<512x384xf32>
    %ge3A = arith.constant 0.000000e+00 : f32
    %ge3A_104 = vector.broadcast %ge3A : f32 to vector<512x384xf32>
    %ge3A_105 = arith.cmpf oge, %add3A_103, %ge3A_104 : vector<512x384xf32>
    %mul3A_106 = arith.constant 2.000000e-01 : f32
    %mul3A_107 = vector.broadcast %mul3A_106 : f32 to vector<512x384xf32>
    %mul3A_108 = arith.mulf %mul3A_107, %add3A_103 : vector<512x384xf32>
    %select_n3A = arith.select %ge3A_105, %add3A_103, %mul3A_108 : vector<512x384xi1>, vector<512x384xf32>
    %get3A_109 = arith.constant 0 : index
    %get3A_110 = arith.constant 0 : index
    %get3A_111 = vector.load %arg13[%get3A_109, %get3A_110] : memref<384x128xf32, #tpu.memory_space<vmem>>, vector<384x128xf32>
    %dot_general3A_112 = arith.constant dense<0.000000e+00> : vector<512x128xf32>
    %dot_general3A_113 = tpu.matmul %select_n3A, %get3A_111, %dot_general3A_112 {dimension_numbers = #tpu.dot_dimension_numbers<[1], [0], [0], [1], [0, 0, 1, 1], [], []>, transpose_lhs_hint = false} : vector<512x384xf32>, vector<384x128xf32>, vector<512x128xf32> -> vector<512x128xf32>
    %get3A_114 = arith.constant 0 : index
    %get3A_115 = arith.constant 0 : index
    %get3A_116 = vector.load %arg14[%get3A_114, %get3A_115] : memref<1x128xf32, #tpu.memory_space<vmem>>, vector<1x128xf32>
    %add3A_117 = vector.broadcast %get3A_116 : vector<1x128xf32> to vector<512x128xf32>
    %add3A_118 = arith.addf %dot_general3A_113, %add3A_117 : vector<512x128xf32>
    %ge3A_119 = arith.constant 0.000000e+00 : f32
    %ge3A_120 = vector.broadcast %ge3A_119 : f32 to vector<512x128xf32>
    %ge3A_121 = arith.cmpf oge, %add3A_118, %ge3A_120 : vector<512x128xf32>
    %mul3A_122 = arith.constant 2.000000e-01 : f32
    %mul3A_123 = vector.broadcast %mul3A_122 : f32 to vector<512x128xf32>
    %mul3A_124 = arith.mulf %mul3A_123, %add3A_118 : vector<512x128xf32>
    %select_n3A_125 = arith.select %ge3A_121, %add3A_118, %mul3A_124 : vector<512x128xi1>, vector<512x128xf32>
    %get3A_126 = arith.constant 0 : index
    %get3A_127 = arith.constant 0 : index
    %get3A_128 = vector.load %arg15[%get3A_126, %get3A_127] : memref<1x128xf32, #tpu.memory_space<vmem>>, vector<1x128xf32>
    %mul3A_129 = vector.broadcast %get3A_128 : vector<1x128xf32> to vector<512x128xf32>
    %mul3A_130 = arith.mulf %select_n3A_125, %mul3A_129 : vector<512x128xf32>
    %reduce_sum3A_131 = arith.constant dense<0.000000e+00> : vector<512xf32>
    %reduce_sum3A_132 = vector.multi_reduction <add>, %mul3A_130, %reduce_sum3A_131 [1] : vector<512x128xf32> to vector<512xf32>
    %broadcast_in_dim3A_133 = vector.shape_cast %reduce_sum3A_132 : vector<512xf32> to vector<512x1xf32>
    %get3A_134 = arith.constant 0 : index
    %get3A_135 = arith.constant 0 : index
    %get3A_136 = vector.load %arg16[%get3A_134, %get3A_135] : memref<1x1xf32, #tpu.memory_space<vmem>>, vector<1x1xf32>
    %add3A_137 = vector.broadcast %get3A_136 : vector<1x1xf32> to vector<512x1xf32>
    %add3A_138 = arith.addf %broadcast_in_dim3A_133, %add3A_137 : vector<512x1xf32>
    %neg3A = arith.constant 0.000000e+00 : f32
    %neg3A_139 = vector.broadcast %neg3A : f32 to vector<512x1xf32>
    %neg3A_140 = arith.subf %neg3A_139, %add3A_138 : vector<512x1xf32>
    %exp3A = math.exp %neg3A_140 : vector<512x1xf32>
    %add3A_141 = arith.constant 1.000000e+00 : f32
    %add3A_142 = vector.broadcast %add3A_141 : f32 to vector<512x1xf32>
    %add3A_143 = arith.addf %add3A_142, %exp3A : vector<512x1xf32>
    %div3A = arith.constant 1.000000e+00 : f32
    %div3A_144 = vector.broadcast %div3A : f32 to vector<512x1xf32>
    %div3A_145 = arith.divf %div3A_144, %add3A_143 : vector<512x1xf32>
    %swap3A = arith.constant 0 : index
    %swap3A_146 = arith.constant 0 : index
    %swap3A_147 = vector.load %arg17[%swap3A, %swap3A_146] : memref<512x1xf32, #tpu.memory_space<vmem>>, vector<512x1xf32>
    tpu.vector_store %arg17[%swap3A, %swap3A_146], %div3A_145 {strides = array<i32>} : memref<512x1xf32, #tpu.memory_space<vmem>>, vector<512x1xf32>,
    %add3A_148 = arith.addf %reduce_sum3A_32, %reduce_sum3A_34 : vector<8xf32>
    %div3A_149 = arith.constant 3.276800e+04 : f32
    %div3A_150 = vector.broadcast %div3A_149 : f32 to vector<8xf32>
    %div3A_151 = arith.divf %add3A_148, %div3A_150 : vector<8xf32>
    %get3A_152 = arith.constant 0 : index
    %get3A_153 = arith.constant 0 : index
    %get3A_154 = arith.constant 0 : index
    %get3A_155 = vector.load %arg6[%get3A_152, %get3A_153, %get3A_154] : memref<32x1x8xf32, #tpu.memory_space<vmem>>, vector<32x1x8xf32>
    %reduce_sum3A_156 = arith.constant dense<0.000000e+00> : vector<8xf32>
    %reduce_sum3A_157 = vector.multi_reduction <add>, %get3A_155, %reduce_sum3A_156 [0, 1] : vector<32x1x8xf32> to vector<8xf32>
    %div3A_158 = arith.constant 1.638400e+04 : f32
    %div3A_159 = vector.broadcast %div3A_158 : f32 to vector<8xf32>
    %div3A_160 = arith.divf %reduce_sum3A_157, %div3A_159 : vector<8xf32>
    %mul3A_161 = arith.mulf %div3A_151, %div3A_160 : vector<8xf32>
    %reduce_sum3A_162 = vector.shape_cast %mul3A_161 : vector<8xf32> to vector<1x8xf32>
    %reduce_sum3A_163 = arith.constant dense<0.000000e+00> : vector<1xf32>
    %reduce_sum3A_164 = vector.multi_reduction <add>, %reduce_sum3A_162, %reduce_sum3A_163 [1] : vector<1x8xf32> to vector<1xf32>
    %reduce_sum3A_165 = vector.shape_cast %reduce_sum3A_164 : vector<1xf32> to vector<1x1xf32>
    %reduce_sum3A_166 = vector.extract %reduce_sum3A_165[0, 0] : f32 from vector<1x1xf32>
    %mul3A_167 = arith.constant 8.000000e+00 : f32
    %mul3A_168 = arith.mulf %mul3A_167, %reduce_sum3A_166 : f32
    %reshape3A_169 = vector.broadcast %mul3A_168 : f32 to vector<1x1xf32>
    %swap3A_170 = arith.constant 0 : index
    %swap3A_171 = arith.constant 0 : index
    %swap3A_172 = vector.load %arg18[%swap3A_170, %swap3A_171] : memref<1x1xf32, #tpu.memory_space<vmem>>, vector<1x1xf32>
    tpu.vector_store %arg18[%swap3A_170, %swap3A_171], %reshape3A_169 {strides = array<i32>} : memref<1x1xf32, #tpu.memory_space<vmem>>, vector<1x1xf32>,
    return
  }
  func.func @transform_0(%arg0: i32) -> (i32, i32) {
    %c0_i32 = arith.constant 0 : i32
    %c0_i32_0 = arith.constant 0 : i32
    return %arg0, %c0_i32 : i32, i32
  }
  func.func @transform_1(%arg0: i32) -> (i32, i32) {
    %c0_i32 = arith.constant 0 : i32
    %c0_i32_0 = arith.constant 0 : i32
    return %arg0, %c0_i32 : i32, i32
  }
  func.func @transform_2(%arg0: i32) -> (i32, i32) {
    %c0_i32 = arith.constant 0 : i32
    %c0_i32_0 = arith.constant 0 : i32
    return %arg0, %c0_i32 : i32, i32
  }
  func.func @transform_3(%arg0: i32) -> (i32, i32, i32) {
    %c0_i32 = arith.constant 0 : i32
    %c0_i32_0 = arith.constant 0 : i32
    %c0_i32_1 = arith.constant 0 : i32
    %c0_i32_2 = arith.constant 0 : i32
    return %c0_i32, %c0_i32_0, %c0_i32_1 : i32, i32, i32
  }
  func.func @transform_4(%arg0: i32) -> (i32, i32, i32) {
    %c0_i32 = arith.constant 0 : i32
    %c0_i32_0 = arith.constant 0 : i32
    %c0_i32_1 = arith.constant 0 : i32
    %c0_i32_2 = arith.constant 0 : i32
    return %c0_i32, %c0_i32_0, %c0_i32_1 : i32, i32, i32
  }
  func.func @transform_5(%arg0: i32) -> (i32, i32, i32) {
    %c0_i32 = arith.constant 0 : i32
    %c0_i32_0 = arith.constant 0 : i32
    %c0_i32_1 = arith.constant 0 : i32
    %c0_i32_2 = arith.constant 0 : i32
    return %c0_i32, %c0_i32_0, %c0_i32_1 : i32, i32, i32
  }
  func.func @transform_6(%arg0: i32) -> (i32, i32) {
    %c0_i32 = arith.constant 0 : i32
    %c0_i32_0 = arith.constant 0 : i32
    %c0_i32_1 = arith.constant 0 : i32
    return %c0_i32, %c0_i32_0 : i32, i32
  }
  func.func @transform_7(%arg0: i32) -> (i32, i32) {
    %c0_i32 = arith.constant 0 : i32
    %c0_i32_0 = arith.constant 0 : i32
    %c0_i32_1 = arith.constant 0 : i32
    return %c0_i32, %c0_i32_0 : i32, i32
  }
  func.func @transform_8(%arg0: i32) -> (i32, i32) {
    %c0_i32 = arith.constant 0 : i32
    %c0_i32_0 = arith.constant 0 : i32
    %c0_i32_1 = arith.constant 0 : i32
    return %c0_i32, %c0_i32_0 : i32, i32
  }
  func.func @transform_9(%arg0: i32) -> (i32, i32) {
    %c0_i32 = arith.constant 0 : i32
    %c0_i32_0 = arith.constant 0 : i32
    %c0_i32_1 = arith.constant 0 : i32
    return %c0_i32, %c0_i32_0 : i32, i32
  }
  func.func @transform_10(%arg0: i32) -> (i32, i32) {
    %c0_i32 = arith.constant 0 : i32
    %c0_i32_0 = arith.constant 0 : i32
    %c0_i32_1 = arith.constant 0 : i32
    return %c0_i32, %c0_i32_0 : i32, i32
  }
  func.func @transform_11(%arg0: i32) -> (i32, i32) {
    %c0_i32 = arith.constant 0 : i32
    %c0_i32_0 = arith.constant 0 : i32
    %c0_i32_1 = arith.constant 0 : i32
    return %c0_i32, %c0_i32_0 : i32, i32
  }
  func.func @transform_12(%arg0: i32) -> (i32, i32) {
    %c0_i32 = arith.constant 0 : i32
    %c0_i32_0 = arith.constant 0 : i32
    %c0_i32_1 = arith.constant 0 : i32
    return %c0_i32, %c0_i32_0 : i32, i32
  }
  func.func @transform_13(%arg0: i32) -> (i32, i32) {
    %c0_i32 = arith.constant 0 : i32
    %c0_i32_0 = arith.constant 0 : i32
    %c0_i32_1 = arith.constant 0 : i32
    return %c0_i32, %c0_i32_0 : i32, i32
  }
  func.func @transform_14(%arg0: i32) -> (i32, i32) {
    %c0_i32 = arith.constant 0 : i32
    %c0_i32_0 = arith.constant 0 : i32
    %c0_i32_1 = arith.constant 0 : i32
    return %c0_i32, %c0_i32_0 : i32, i32
  }
  func.func @transform_15(%arg0: i32) -> (i32, i32) {
    %c0_i32 = arith.constant 0 : i32
    %c0_i32_0 = arith.constant 0 : i32
    %c0_i32_1 = arith.constant 0 : i32
    return %c0_i32, %c0_i32_0 : i32, i32
  }
  func.func @transform_16(%arg0: i32) -> (i32, i32) {
    %c0_i32 = arith.constant 0 : i32
    %c0_i32_0 = arith.constant 0 : i32
    return %arg0, %c0_i32 : i32, i32
  }
  func.func @transform_17(%arg0: i32) -> (i32, i32) {
    %c0_i32 = arith.constant 0 : i32
    %c0_i32_0 = arith.constant 0 : i32
    %c0_i32_1 = arith.constant 0 : i32
    return %c0_i32, %c0_i32_0 : i32, i32
  }
}

</mosaic_0001>

<sc_bundles>
// kernel: kernel.6.cloned.1.call-start
scs
__scs_entry_jumppad:
0x0: {  	(pc) =	sbr.rel $0x88, $3  }
0x1: {  	(tag) =	ssettag $0x0;
	lr =	simm.s32 $0x1  }
0x2: {  	[smem:$0x3F8F] =	sst lr;
	_ =	strace $0xD0000000  }
0x3: {  	_ = 	snop  }
0x4: {  	_ = 	snop  }
0x5: {  	_ = 	snop  }
0x6: {  	_ = 	snop  }
0x7: {  	_ = 	snop  }
__scs_overlays_trampoline_lowered:
0x8: {  	[smem:$0x3F9E] =	sst s0  }
0x9: {  	[smem:$0x3F9F] =	sst s1  }
0xa: {  	[smem:$0x3FA0] =	sst s2  }
0xb: {  	[smem:$0x3FA1] =	sst s3  }
0xc: {  	[smem:$0x3FA2] =	sst s4  }
0xd: {  	[smem:$0x3FA3] =	sst s5  }
0xe: {  	[smem:$0x3FA4] =	sst s6  }
0xf: {  	[smem:$0x3FA5] =	sst s7  }
0x10: {  	[smem:$0x3FA6] =	sst s8  }
0x11: {  	[smem:$0x3FA7] =	sst s9;
	s0 =	simm.s32 @!p0 $0x0  }
0x12: {  	s1 =	sld [smem:$0x3F8D];
	s0 =	simm.s32 @p0 $0x1  }
0x13: {  	[smem:$0x3FA8] =	sst s0;
	s0 =	simm.s32 @!p1 $0x0  }
0x14: {  	s2 =	sld [smem:$0x3F8C];
	s0 =	simm.s32 @p1 $0x1  }
0x15: {  	[smem:$0x3FA9] =	sst s0;
	s0 =	simm.s32 @!p2 $0x0  }
0x16: {  	s3 =	sld [smem:$0x3FDB];
	s0 =	simm.s32 @p2 $0x1  }
0x17: {  	s4 =	simm.s32 $0x1BF5;
	[smem:$0x3FAB] =	sst s0  }
0x18: {  	s0 =	sld [smem:$0x3F8E];
	_ =	swait.ge [sflag:s4], $0x0  }
0x19: {  	s7 =	sld [smem:$0x3F8F]  }
0x1a: {  	s8 =	sadd.s32 $0xFFFFE003, lr  }
0x1b: {  	s9 =	sadd.s32 $0xFFFFFEF7, lr;
	s5 =	simm.s32 $0xFFFFFFFF;
	p2 =	slt.u32 s8, $0xFFFFF086  }
0x1c: {  	p1 =	slt.u32 s9, $0xF7A;
	s5 =	simm.s32 @!p2 $0x0  }
0x1d: {  	s5 =	simm.s32 @p1 $0x1;
	p0 =	seq.s32 s7, s2  }
0x1e: {  	s7 =	smul.u32 @!p0 $0xF7A, s2;
	p2 =	seq.s32 @!p0 s5, $0x0  }
0x1f: {  	s9 =	smul.u32 $0xF7A, s1;
	s8 =	simm.s32 @!p0 $0x1BF5;
	p2 =	por !p2, p0  }
0x20: {  	[sflag:s8] =	ssyncset.s32 @!p0 $0xFFFFF086;
	s6 =	sadd.s32 @!p0 s3, s7;
	s7 =	simm.s32 @!p0 $0x108  }
0x21: {  	s3 =	sadd.s32 s3, s9;
	s6 =	sadd.s32 @!p0 $0x88, s6;
	s7 =	simm.s32 @p2 $0x1082  }
0x22: {  	[simem:s7], [sflag:s8] =	dma.local @!p0 [hbm:s6], $0xF7A  }
0x23: {  	s9 =	sor.u32 $0xD0000000, s2;
	s6 =	simm.s32 $0x108;
	_ =	swait.ge @!p0 [sflag:s8], $0x0  }
0x24: {  	s3 =	sadd.s32 $0x88, s3;
	s6 =	simm.s32 @!p1 $0x1082;
	[sflag:s4] =	ssyncset.s32 $0xFFFFF086  }
0x25: {  	[simem:s6], [sflag:s4] =	dma.local [hbm:s3], $0xF7A  }
0x26: {  	[smem:$0x3F8F] =	sst s1;
	(tag) =	ssettag s2;
	_ =	strace s9  }
0x27: {  	s1 =	sld [smem:$0x3F9F]  }
0x28: {  	s2 =	sld [smem:$0x3FA0]  }
0x29: {  	s4 =	sld [smem:$0x3FA2]  }
0x2a: {  	p0 =	seq.s32 s5, $0x0;
	s5 =	sld [smem:$0x3FA3]  }
0x2b: {  	s6 =	sld [smem:$0x3FA4]  }
0x2c: {  	s7 =	sld [smem:$0x3FA5]  }
0x2d: {  	s3 =	simm.s32 $0x108;
	s8 =	sld [smem:$0x3FA6]  }
0x2e: {  	s3 =	simm.s32 @!p0 $0x1082;
	s9 =	sld [smem:$0x3FA7]  }
0x2f: {  	lr =	sadd.s32 s0, s3;
	s0 =	sld [smem:$0x3F9E]  }
0x30: {  	s3 =	sld [smem:$0x3FA1]  }
0x31: {  	[smem:$0x3FAA] =	sst s10  }
0x32: {  	s10 =	sld [smem:$0x3FA8];
	_ =	sdelay $0x3  }
0x33: {  	p0 =	seq.s32 s10, $0x1;
	s10 =	sld [smem:$0x3FAA];
	_ =	sdelay $0x3  }
0x34: {  	[smem:$0x3FAA] =	sst s10  }
0x35: {  	s10 =	sld [smem:$0x3FA9];
	_ =	sdelay $0x3  }
0x36: {  	p1 =	seq.s32 s10, $0x1;
	s10 =	sld [smem:$0x3FAA];
	_ =	sdelay $0x3  }
0x37: {  	[smem:$0x3FAA] =	sst s10  }
0x38: {  	s10 =	sld [smem:$0x3FAB]  }
0x39: {  	_ = 	snop;
	(pc) =	sbr.ind lr, $3  }
0x3a: {  	_ = 	snop  }
0x3b: {  	_ = 	snop  }
0x3c: {  	p2 =	seq.s32 s10, $0x1;
	s10 =	sld [smem:$0x3FAA]  }
0x3d: {  	_ =	shalt  }
0x3e: {  	_ =	shalt  }
0x3f: {  	_ =	shalt  }
0x40: {  	_ =	shalt  }
0x41: {  	_ =	shalt  }
0x42: {  	_ =	shalt  }
0x43: {  	_ =	shalt  }
0x44: {  	_ =	shalt  }
0x45: {  	_ =	shalt  }
0x46: {  	_ =	shalt  }
0x47: {  	_ =	shalt  }
0x48: {  	_ =	shalt  }
0x49: {  	_ =	shalt  }
0x4a: {  	_ =	shalt  }
0x4b: {  	_ =	shalt  }
0x4c: {  	_ =	shalt  }
0x4d: {  	_ =	shalt  }
0x4e: {  	_ =	shalt  }
0x4f: {  	_ =	shalt  }
0x50: {  	_ =	shalt  }
0x51: {  	_ =	shalt  }
0x52: {  	_ =	shalt  }
0x53: {  	_ =	shalt  }
0x54: {  	_ =	shalt  }
0x55: {  	_ =	shalt  }
0x56: {  	_ =	shalt  }
0x57: {  	_ =	shalt  }
0x58: {  	_ =	shalt  }
0x59: {  	_ =	shalt  }
0x5a: {  	_ =	shalt  }
0x5b: {  	_ =	shalt  }
0x5c: {  	_ =	shalt  }
0x5d: {  	_ =	shalt  }
0x5e: {  	_ =	shalt  }
0x5f: {  	_ =	shalt  }
0x60: {  	_ =	shalt  }
0x61: {  	_ =	shalt  }
0x62: {  	_ =	shalt  }
0x63: {  	_ =	shalt  }
0x64: {  	_ =	shalt  }
0x65: {  	_ =	shalt  }
0x66: {  	_ =	shalt  }
0x67: {  	_ =	shalt  }
0x68: {  	_ =	shalt  }
0x69: {  	_ =	shalt  }
0x6a: {  	_ =	shalt  }
0x6b: {  	_ =	shalt  }
0x6c: {  	_ =	shalt  }
0x6d: {  	_ =	shalt  }
0x6e: {  	_ =	shalt  }
0x6f: {  	_ =	shalt  }
0x70: {  	_ =	shalt  }
0x71: {  	_ =	shalt  }
0x72: {  	_ =	shalt  }
0x73: {  	_ =	shalt  }
0x74: {  	_ =	shalt  }
0x75: {  	_ =	shalt  }
0x76: {  	_ =	shalt  }
0x77: {  	_ =	shalt  }
0x78: {  	_ =	shalt  }
0x79: {  	_ =	shalt  }
0x7a: {  	_ =	shalt  }
0x7b: {  	_ =	shalt  }
0x7c: {  	_ =	shalt  }
0x7d: {  	_ =	shalt  }
0x7e: {  	_ =	shalt  }
0x7f: {  	_ =	shalt  }
0x80: {  	_ =	shalt  }
0x81: {  	_ =	shalt  }
0x82: {  	_ =	shalt  }
0x83: {  	_ =	shalt  }
0x84: {  	_ =	shalt  }
0x85: {  	_ =	shalt  }
0x86: {  	_ =	shalt  }
0x87: {  	_ =	shalt  }
.Lfunc_end0:
.L_simem_size_0:
called_computation_lowered:
.L_overlay_start_0:
0x88: {  	s2 =	sld [smem:$0x3FD9]  }
0x89: {  	s3 =	sld [smem:$0x3FFE];
	_ =	sdelay $0x1  }
0x8a: {  	s1 =	srdreg.scid  }
0x8b: {  	s0 =	sand.u32 $0x1, s1  }
0x8c: {  	s16 =	sshll.u32 s0, $0xA;
	s2 =	sadd.s32 s3, s2  }
0x8d: {  	s2 =	sadd.s32 s2, s16  }
0x8e: {  	[smem:$0x3FB6] =	sst s2  }
0x8f: {  	_ = 	snop  }
0x90: {  	(tm) =	ssettm $0x1  }
0x91: {  	s17 =	sld [smem:$0x3FFB];
	_ =	sdelay $0x3  }
0x92: {  	_ =	strace s17  }
0x93: {  	s2 =	sld [smem:$0x3FFC];
	_ =	sdelay $0x3  }
0x94: {  	_ =	strace s2  }
0x95: {  	s2 =	sld [smem:$0x3FFD];
	_ =	sdelay $0x3  }
0x96: {  	_ =	strace s2  }
0x97: {  	_ =	strace $0x8FFFFFFF  }
0x98: {  	s18 =	sld [smem:$0x3FDB];
	_ =	sdelay $0x1  }
0x99: {  	s19 =	simm.s32 $_scs_section_size  }
0x9a: {  	s4 =	simm.s32 $_size__tile_overlayer_lowered;
	s5 =	simm.s32 $_tile_overlayer_lowered  }
0x9b: {  	s22 =	simm.s32 $0x1BFF;
	s21 =	sshll.u32 s5, $0x1;
	s2 =	sadd.s32 s19, s18  }
0x9c: {  	s6 =	simm.s32 $0x0;
	s20 =	sshll.u32 s4, $0x1;
	s4 =	sadd.s32 s21, s2  }
0x9d: {  	[timem:s6], [sflag:s22] =	dma.local [hbm:s4], s20  }
0x9e: {  	_ =	swait.ge [sflag:s22], s20  }
0x9f: {  	s3 =	ssub.s32 $0x0, s20;
	[sflag:s22] =	ssyncset.done $0x0  }
0xa0: {  	[sflag:s22] =	ssyncadd.s32 s3;
	_ =	sdelay $0x1  }
0xa1: {  	s23 =	simm.s32 $0x1B8B  }
0xa2: {  	_ =	swait.ge [sflag:s23], $0x1  }
0xa3: {  	[sflag:s23] =	ssyncset.done $0x0  }
0xa4: {  	s25 =	simm.s32 $0x1B8E;
	s24 =	sld [smem:$0x3FFE];
	[sflag:s23] =	ssyncadd.s32 $0xFFFFFFFF  }
0xa5: {  	s26 =	simm.s32 $execute0_lowered;
	[smem:$0x3FD2] =	sst s25  }
0xa6: {  	s4 =	sshll.u32 s26, $0x1;
	_ =	strace $0x80000046;
	[dreg:$0x1] =	wrdreg $0xFFFFFFFF  }
0xa7: {  	s28 =	simm.s32 $_size_execute0_lowered;
	s2 =	sadd.s32 s2, s4;
	[dreg:$0x0] =	wrdreg $0x0  }
0xa8: {  	s4 =	sshll.u32 s28, $0x1;
	[dreg:$0x2] =	wrdreg s2  }
0xa9: {  	[dreg:$0x3] =	wrdreg s4  }
0xaa: {  	[dreg:$0x4] =	wrdreg $0xC0  }
0xab: {  	_ =	task [dreg:s6], $0x5FFFF  }
0xac: {  	[dreg:$0x1] =	wrdreg $0xFFFFFFFF  }
0xad: {  	[dreg:$0x0] =	wrdreg $0x60  }
0xae: {  	[dreg:$0x2] =	wrdreg s24  }
0xaf: {  	[dreg:$0x3] =	wrdreg $0x9  }
0xb0: {  	_ =	task.clear_ibuf [dreg:s6], $0x4FFFF;
	_ =	strace $0x90000046  }
0xb1: {  	s29 =	simm.s32 $0x9;
	_ =	strace $0x80000048  }
0xb2: {  	_ =	swait.ge [sflag:s29], $0x1  }
0xb3: {  	[sflag:s29] =	ssyncadd.s32 $0xFFFFFFFF  }
0xb4: {  	_ =	strace $0x90000048  }
0xb5: {  	_ =	sfence  }
0xb6: {  	s30 =	sld [smem:$0x0];
	_ =	sdelay $0x2  }
0xb7: {  	s31 =	sshll.u32 s1, $0xD;
	s1 =	sshrl.u32 s1, $0x2  }
0xb8: {  	s3 =	sand.u32 $0x4000, s31;
	s1 =	sadd.s32 s1, s30  }
0xb9: {  	s0 =	sor.u32 s3, s0;
	s1 =	sshll.u32 s1, $0x11  }
0xba: {  	s0 =	sor.u32 s1, s0  }
0xbb: {  	s0 =	sadd.s32 $0x8F2B, s0  }
0xbc: {  	[sflag:s0] =	ssyncadd.remote.s32 $0x1  }
0xbd: {  	_ =	sfence.sel $0xFFFF  }
0xbe: {  	[dreg:$0x0] =	wrdreg $0xFFFFFFFF;
	(pc) =	sbr.abs _section_cstart, $3  }
0xbf: {  	[dreg:$0x1] =	wrdreg $0xFFFFFFFF  }
0xc0: {  	_ =	task.clear_ibuf [dreg:s6], $0x2FFFF;
	_ =	strace $0x9FFFFFFF  }
0xc1: {  	(tm) =	ssettm $0x7FFFFFFF  }
tec
execute0_lowered:
.L_overlay_start_1:
0x0: {  	(tag) =	ssettag $0x1  }
0x1: {  	s4 =	rddreg [dreg:$0x0]  }
0x2: {  	s0 =	rddreg [dreg:$0x1];
	s3 =	srdreg.scid  }
0x3: {  	s2 =	simm.s32 $0x0;
	s1 =	stileid.u32;
	s16 =	simm.s32 $0x1000  }
0x4: {  	s17 =	simm.s32 $0x2000;
	s5 =	sand.u32 $0x1, s3;
	[smem:$0x7FF] =	sst s2  }
0x5: {  	s6 =	sshll.u32 s1, $0x3;
	s3 =	sadd.s32 $0x2E00, s4;
	s10 =	sadd.s32 $0x622E00, s4  }
0x6: {  	s18 =	sshll.u32 s1, $0xF;
	s11 =	sadd.s32 $0x632E00, s4;
	s7 =	sshll.u32 s5, $0x2  }
0x7: {  	_ =	strace $0x80000047;
	s19 =	ssub.s32 $0x2, s5;
	s6 =	sor.u32 s7, s6  }
0x8: {  	s21 =	sshrl.u32 s19, $0x1;
	s8 =	sshll.u32 s6, $0x9;
	s9 =	sor.u32 $0x1, s6  }
0x9: {  	s12 =	ssub.s32 s19, s21;
	s24 =	sshll.u32 s6, $0xD;
	s26 =	sor.u32 $0x2, s6  }
0xa: {  	s15 =	sor.u32 $0x3, s6;
	s19 =	simm.s32 $0x0;
	s20 =	sor.u32 s18, s8  }
0xb: {  	s23 =	sshll.u32 s9, $0x9;
	s14 =	sshll.u32 s26, $0x9;
	s29 =	sshll.u32 s15, $0x9  }
0xc: {  	s9 =	sshll.u32 s9, $0xD;
	s31 =	sshll.u32 s15, $0xD;
	s12 =	smax.u32 s12, $0x1  }
0xd: {  	s15 =	simm.s32 $0x2;
	s5 =	sand.u32 $0x63800, s20;
	s13 =	sor.u32 s18, s23  }
0xe: {  	s28 =	sor.u32 s18, s14;
	s14 =	sor.u32 s18, s29;
	s7 =	sadd.s32 s11, s9  }
0xf: {  	s18 =	simm.s32 $0x1;
	s22 =	sshrl.u32 s5, $0x3;
	s5 =	sadd.s32 s11, s24  }
0x10: {  	s25 =	sand.u32 $0x63A00, s13;
	s30 =	sand.u32 $0x63E00, s14;
	s13 =	sshll.u32 s26, $0xD  }
0x11: {  	s4 =	sadd.s32 s10, s22;
	s8 =	sshrl.u32 s25, $0x3;
	s14 =	sshrl.u32 s30, $0x3  }
0x12: {  	v1 =	vlaneseq.u32;
	s9 =	sadd.s32 s11, s13;
	s6 =	sadd.s32 s10, s8;
	s8 =	sand.u32 $0x63C00, s28  }
0x13: {  	v0 =	vand.u32 $0x7, v1;
	s11 =	sadd.s32 s11, s31;
	s13 =	simm.s32 $0x200;
	s8 =	sshrl.u32 s8, $0x3  }
0x14: {  	v1 =	vshrl.u32 v1, $0x3;
	v2 =	vmul.u32 $0x200, v0;
	s8 =	sadd.s32 s10, s8;
	s10 =	sadd.s32 s10, s14;
	s14 =	simm.s32 $0x4000  }
.LBB2_1:
0x15: {  	_ = 	snop  }
0x16: {  	v3 =	vadd.s32 v2, v1  }
0x17: {  	[tilespmem:s2], [sflag:$0x2] =	stream.strided.gather [hbm4b:s4+s13], $0x1000, s14, s13, $0x38;
	[tilespmem:$0x12000] =	vst v63  }
0x18: {  	_ =	swait.ge [sflag:s15], $0x1000  }
0x19: {  	[sflag:s15] =	ssyncset.done $0x0  }
0x1a: {  	[sflag:s15] =	ssyncadd.s32 $0xFFFFF000  }
0x1b: {  	v6 =	vld.idx.msk [tilespmem:v3+s2+$0x0], $0xffff;
	_ =	sdelay $0x1  }
0x1c: {  	v4 =	vadd.s32 $0x2, v1  }
0x1d: {  	s20 =	simm.s32 $0x40;
	s22 =	simm.s32 $0x80;
	s21 =	simm.s32 $0x0;
	v5 =	vadd.s32 v2, v4  }
.LBB2_2:
0x1e: {  	p0 =	sne.s32 s22, $0x3FC0  }
0x1f: {  	v6 =	vshll.u32 v6, $0x3  }
0x20: {  	s23 =	sshra.s32 s21, $0x2;
	s21 =	smov.u32 s20;
	s20 =	smov.u32 s22;
	v6 =	vor.u32 v0, v6  }
0x21: {  	[tilespmem:s23+$0x1000] =	vst v6  }
.Ltmp0:
0x22: {  	v6 =	vld.idx.msk [tilespmem:v5+s2+$0x0], $0xffff;
	(pc) =	sbr.rel @p0 .LBB2_2-.Ltmp0, $3  }
0x23: {  	_ =	sdelay $0x1  }
0x24: {  	v4 =	vadd.s32 $0x2, v4  }
0x25: {  	s22 =	sadd.s32 $0x40, s22;
	v5 =	vadd.s32 v2, v4  }
0x26: {  	_ = 	snop  }
0x27: {  	v4 =	vshll.u32 v6, $0x3  }
0x28: {  	s21 =	sshra.s32 s21, $0x2;
	v4 =	vor.u32 v0, v4  }
0x29: {  	[tilespmem:s21+$0x1000] =	vst v4  }
0x2a: {  	v4 =	vld.idx.msk [tilespmem:v5+s2+$0x0], $0xffff;
	_ =	sdelay $0x4  }
0x2b: {  	v4 =	vshll.u32 v4, $0x3  }
0x2c: {  	s20 =	sshra.s32 s20, $0x2;
	v4 =	vor.u32 v0, v4  }
0x2d: {  	[tilespmem:s20+$0x1000] =	vst v4  }
0x2e: {  	[tilespmem:s17], [sflag:$0x1] =	stream.indirect.gather [hbm4b:s3+s16], $0x10, s16, s16, $0xb8;
	[tilespmem:$0x12000] =	vst v63  }
0x2f: {  	_ =	swait.ge [sflag:s18], $0x10000  }
0x30: {  	[sflag:s18] =	ssyncset.done $0x0  }
0x31: {  	s20 =	simm.s32 $0x0;
	[sflag:s18] =	ssyncadd.s32 $0xFFFF0000  }
0x32: {  	[hbm4b:s5+s20] =	stream.linear.scatter [tilespmem:s17], [sflag:$0x2], $0x10000, $0x38;
	[tilespmem:$0x12000] =	vst v63  }
0x33: {  	_ =	swait.ge [sflag:s15], $0x10000  }
0x34: {  	[sflag:s15] =	ssyncset.done $0x0  }
0x35: {  	[sflag:s15] =	ssyncadd.s32 $0xFFFF0000  }
0x36: {  	[tilespmem:s20], [sflag:$0x2] =	stream.strided.gather [hbm4b:s6+s13], $0x1000, s14, s13, $0x38;
	[tilespmem:$0x12000] =	vst v63  }
0x37: {  	_ =	swait.ge [sflag:s15], $0x1000  }
0x38: {  	[sflag:s15] =	ssyncset.done $0x0  }
0x39: {  	[sflag:s15] =	ssyncadd.s32 $0xFFFFF000  }
0x3a: {  	v6 =	vld.idx.msk [tilespmem:v3+s2+$0x0], $0xffff;
	_ =	sdelay $0x1  }
0x3b: {  	v4 =	vadd.s32 $0x2, v1  }
0x3c: {  	s22 =	simm.s32 $0x80;
	s21 =	simm.s32 $0x40;
	v5 =	vadd.s32 v2, v4  }
.LBB2_4:
0x3d: {  	p0 =	sne.s32 s22, $0x3FC0  }
0x3e: {  	v6 =	vshll.u32 v6, $0x3  }
0x3f: {  	s23 =	sshra.s32 s20, $0x2;
	s20 =	smov.u32 s21;
	s21 =	smov.u32 s22;
	v6 =	vor.u32 v0, v6  }
0x40: {  	[tilespmem:s23+$0x1000] =	vst v6  }
.Ltmp1:
0x41: {  	v6 =	vld.idx.msk [tilespmem:v5+s2+$0x0], $0xffff;
	(pc) =	sbr.rel @p0 .LBB2_4-.Ltmp1, $3  }
0x42: {  	_ =	sdelay $0x1  }
0x43: {  	v4 =	vadd.s32 $0x2, v4  }
0x44: {  	s22 =	sadd.s32 $0x40, s22;
	v5 =	vadd.s32 v2, v4  }
0x45: {  	_ = 	snop  }
0x46: {  	v4 =	vshll.u32 v6, $0x3  }
0x47: {  	s20 =	sshra.s32 s20, $0x2;
	v4 =	vor.u32 v0, v4  }
0x48: {  	[tilespmem:s20+$0x1000] =	vst v4  }
0x49: {  	v4 =	vld.idx.msk [tilespmem:v5+s2+$0x0], $0xffff;
	_ =	sdelay $0x4  }
0x4a: {  	v4 =	vshll.u32 v4, $0x3  }
0x4b: {  	s31 =	sshra.s32 s21, $0x2;
	v4 =	vor.u32 v0, v4  }
0x4c: {  	[tilespmem:s31+$0x1000] =	vst v4  }
0x4d: {  	[tilespmem:s17], [sflag:$0x1] =	stream.indirect.gather [hbm4b:s3+s16], $0x10, s16, s16, $0xb8;
	[tilespmem:$0x12000] =	vst v63  }
0x4e: {  	_ =	swait.ge [sflag:s18], $0x10000  }
0x4f: {  	[sflag:s18] =	ssyncset.done $0x0  }
0x50: {  	s20 =	simm.s32 $0x0;
	[sflag:s18] =	ssyncadd.s32 $0xFFFF0000  }
0x51: {  	[hbm4b:s7+s20] =	stream.linear.scatter [tilespmem:s17], [sflag:$0x2], $0x10000, $0x38;
	[tilespmem:$0x12000] =	vst v63  }
0x52: {  	_ =	swait.ge [sflag:s15], $0x10000  }
0x53: {  	[sflag:s15] =	ssyncset.done $0x0  }
0x54: {  	[sflag:s15] =	ssyncadd.s32 $0xFFFF0000  }
0x55: {  	[tilespmem:s20], [sflag:$0x2] =	stream.strided.gather [hbm4b:s8+s13], $0x1000, s14, s13, $0x38;
	[tilespmem:$0x12000] =	vst v63  }
0x56: {  	_ =	swait.ge [sflag:s15], $0x1000  }
0x57: {  	[sflag:s15] =	ssyncset.done $0x0  }
0x58: {  	[sflag:s15] =	ssyncadd.s32 $0xFFFFF000  }
0x59: {  	v6 =	vld.idx.msk [tilespmem:v3+s2+$0x0], $0xffff;
	_ =	sdelay $0x1  }
0x5a: {  	v4 =	vadd.s32 $0x2, v1  }
0x5b: {  	s21 =	simm.s32 $0x40;
	s22 =	simm.s32 $0x80;
	v5 =	vadd.s32 v2, v4  }
.LBB2_6:
0x5c: {  	p0 =	sne.s32 s22, $0x3FC0  }
0x5d: {  	v6 =	vshll.u32 v6, $0x3  }
0x5e: {  	s23 =	sshra.s32 s20, $0x2;
	s20 =	smov.u32 s21;
	s21 =	smov.u32 s22;
	v6 =	vor.u32 v0, v6  }
0x5f: {  	[tilespmem:s23+$0x1000] =	vst v6  }
.Ltmp2:
0x60: {  	v6 =	vld.idx.msk [tilespmem:v5+s2+$0x0], $0xffff;
	(pc) =	sbr.rel @p0 .LBB2_6-.Ltmp2, $3  }
0x61: {  	_ =	sdelay $0x1  }
0x62: {  	v4 =	vadd.s32 $0x2, v4  }
0x63: {  	s22 =	sadd.s32 $0x40, s22;
	v5 =	vadd.s32 v2, v4  }
0x64: {  	_ = 	snop  }
0x65: {  	v4 =	vshll.u32 v6, $0x3  }
0x66: {  	s20 =	sshra.s32 s20, $0x2;
	v4 =	vor.u32 v0, v4  }
0x67: {  	[tilespmem:s20+$0x1000] =	vst v4  }
0x68: {  	v4 =	vld.idx.msk [tilespmem:v5+s2+$0x0], $0xffff;
	_ =	sdelay $0x4  }
0x69: {  	v4 =	vshll.u32 v4, $0x3  }
0x6a: {  	s31 =	sshra.s32 s21, $0x2;
	v4 =	vor.u32 v0, v4  }
0x6b: {  	[tilespmem:s31+$0x1000] =	vst v4  }
0x6c: {  	[tilespmem:s17], [sflag:$0x1] =	stream.indirect.gather [hbm4b:s3+s16], $0x10, s16, s16, $0xb8;
	[tilespmem:$0x12000] =	vst v63  }
0x6d: {  	_ =	swait.ge [sflag:s18], $0x10000  }
0x6e: {  	[sflag:s18] =	ssyncset.done $0x0  }
0x6f: {  	s20 =	simm.s32 $0x0;
	[sflag:s18] =	ssyncadd.s32 $0xFFFF0000  }
0x70: {  	[hbm4b:s9+s20] =	stream.linear.scatter [tilespmem:s17], [sflag:$0x2], $0x10000, $0x38;
	[tilespmem:$0x12000] =	vst v63  }
0x71: {  	_ =	swait.ge [sflag:s15], $0x10000  }
0x72: {  	[sflag:s15] =	ssyncset.done $0x0  }
0x73: {  	[sflag:s15] =	ssyncadd.s32 $0xFFFF0000  }
0x74: {  	[tilespmem:s20], [sflag:$0x2] =	stream.strided.gather [hbm4b:s10+s13], $0x1000, s14, s13, $0x38;
	[tilespmem:$0x12000] =	vst v63  }
0x75: {  	_ =	swait.ge [sflag:s15], $0x1000  }
0x76: {  	[sflag:s15] =	ssyncset.done $0x0  }
0x77: {  	[sflag:s15] =	ssyncadd.s32 $0xFFFFF000  }
0x78: {  	v5 =	vld.idx.msk [tilespmem:v3+s2+$0x0], $0xffff;
	_ =	sdelay $0x1  }
0x79: {  	v4 =	vadd.s32 $0x2, v1  }
0x7a: {  	s21 =	simm.s32 $0x40;
	s22 =	simm.s32 $0x80;
	v3 =	vadd.s32 v2, v4  }
.LBB2_8:
0x7b: {  	p0 =	sne.s32 s22, $0x3FC0  }
0x7c: {  	v5 =	vshll.u32 v5, $0x3  }
0x7d: {  	s23 =	sshra.s32 s20, $0x2;
	s20 =	smov.u32 s21;
	s21 =	smov.u32 s22;
	v5 =	vor.u32 v0, v5  }
0x7e: {  	[tilespmem:s23+$0x1000] =	vst v5  }
.Ltmp3:
0x7f: {  	v5 =	vld.idx.msk [tilespmem:v3+s2+$0x0], $0xffff;
	(pc) =	sbr.rel @p0 .LBB2_8-.Ltmp3, $3  }
0x80: {  	_ =	sdelay $0x1  }
0x81: {  	v4 =	vadd.s32 $0x2, v4  }
0x82: {  	s22 =	sadd.s32 $0x40, s22;
	v3 =	vadd.s32 v2, v4  }
0x83: {  	_ = 	snop  }
0x84: {  	v4 =	vshll.u32 v5, $0x3  }
0x85: {  	s20 =	sshra.s32 s20, $0x2;
	v4 =	vor.u32 v0, v4  }
0x86: {  	[tilespmem:s20+$0x1000] =	vst v4  }
0x87: {  	v3 =	vld.idx.msk [tilespmem:v3+s2+$0x0], $0xffff;
	_ =	sdelay $0x4  }
0x88: {  	v3 =	vshll.u32 v3, $0x3  }
0x89: {  	s31 =	sshra.s32 s21, $0x2;
	v3 =	vor.u32 v0, v3  }
0x8a: {  	[tilespmem:s31+$0x1000] =	vst v3  }
0x8b: {  	[tilespmem:s17], [sflag:$0x1] =	stream.indirect.gather [hbm4b:s3+s16], $0x10, s16, s16, $0xb8;
	[tilespmem:$0x12000] =	vst v63  }
0x8c: {  	s19 =	sadd.s32 $0x1, s19;
	_ =	swait.ge [sflag:s18], $0x10000  }
0x8d: {  	p0 =	sne.s32 s19, s12;
	[sflag:s18] =	ssyncset.done $0x0  }
.Ltmp4:
0x8e: {  	[sflag:s18] =	ssyncadd.s32 $0xFFFF0000;
	(pc) =	sbr.rel @p0 .LBB2_1-.Ltmp4, $4  }
0x8f: {  	[hbm4b:s11+s2] =	stream.linear.scatter [tilespmem:s17], [sflag:$0x2], $0x10000, $0x38;
	[tilespmem:$0x12000] =	vst v63  }
0x90: {  	_ =	swait.ge [sflag:s15], $0x10000  }
0x91: {  	[sflag:s15] =	ssyncset.done $0x0  }
0x92: {  	[sflag:s15] =	ssyncadd.s32 $0xFFFF0000  }
0x93: {  	_ =	sfence.sel $0x180000  }
0x94: {  	[bflag:$0x0] =	sbarrier.arrive $0xFFFF  }
0x95: {  	p0 =	sne.s32 s1, $0x0;
	_ =	strace $0x90000047  }
0x96: {  	s0 =	sadd.s32 @!p0 $0x100000, s0;
	[bflag:$0x2] =	sbarrier.arrive $0xFFFF  }
0x97: {  	[sflag:s0] =	ssyncadd.tile.s32 @!p0 $0x1;
	_ =	shalt  }
.Lfunc_end2:
_tile_overlayer_lowered:
.L_overlay_start_2:
0x98: {  	(tag) =	ssettag $0x2  }
0x99: {  	s0 =	rddreg [dreg:$0x0];
	s2 =	stileid.u32  }
0x9a: {  	s1 =	rddreg [dreg:$0x1];
	p0 =	sne.s32 s2, $0x0  }
0x9b: {  	s3 =	rddreg [dreg:$0x2];
	[bflag:$0x3] =	sbarrier.arrive $0xFFFF;
	s2 =	simm.s32 @!p0 $0x1C02  }
0x9c: {  	[timem:s3], [sflag:s2] =	dma.local @!p0 [hbm:s0], s1  }
0x9d: {  	s0 =	simm.s32 @!p0 $0x2  }
0x9e: {  	_ =	swait.ge @!p0 [sflag:s0], s1  }
0x9f: {  	s1 =	ssub.s32 @!p0 $0x0, s1;
	[sflag:s0] =	ssyncset.done @!p0 $0x0  }
0xa0: {  	[sflag:s0] =	ssyncadd.s32 @!p0 s1  }
0xa1: {  	[bflag:$0x3] =	sbarrier.arrive $0xFFFF  }
0xa2: {  	_ =	shalt  }

</sc_bundles>
